<compile_context>
chip_gen: v7x
topology: tpu7x:2x2x1
jax: 0.10.2.dev20260603
libtpu: 0.0.44.dev20260713+nightly
codegen_flags: <defaults>
</compile_context>

<pallas_src>
import functools

import jax
import jax.numpy as jnp
from jax import lax
from jax.experimental import pallas as pl
from jax.experimental.pallas import tpu as pltpu
from jax.experimental.pallas import tpu_sc as plsc

NC = 2
NS = 16
NW = NC * NS
L = 16

CHUNK = 400


def _decoder_kernel(z_hbm, src_hbm, dst_hbm, out_hbm,
                    idx_s, idx_d, rows_s, rows_d, out_vb,
                    sem_is, sem_id, sem_s0, sem_d0, sem_s1, sem_d1,
                    sem_o0, sem_o1):
    b = out_hbm.shape[0]
    w = z_hbm.shape[1]
    b_per_w = b // NW

    wid = lax.axis_index("s") * NC + lax.axis_index("c")
    base = wid * b_per_w
    n_chunks = b_per_w // CHUNK

    cp_is = pltpu.async_copy(src_hbm.at[pl.ds(base, b_per_w)], idx_s, sem_is)
    cp_id = pltpu.async_copy(dst_hbm.at[pl.ds(base, b_per_w)], idx_d, sem_id)
    cp_is.wait()
    cp_id.wait()

    sems = ((sem_s0, sem_d0), (sem_s1, sem_d1))
    osems = (sem_o0, sem_o1)

    def issue(ci, buf):
        ss, sd = sems[buf]
        pltpu.async_copy(
            z_hbm.at[idx_s.at[pl.ds(ci * CHUNK, CHUNK)]], rows_s.at[buf], ss)
        pltpu.async_copy(
            z_hbm.at[idx_d.at[pl.ds(ci * CHUNK, CHUNK)]], rows_d.at[buf], sd)

    def wait(buf):
        ss, sd = sems[buf]
        pltpu.make_async_copy(z_hbm.at[idx_s.at[pl.ds(0, CHUNK)]],
                              rows_s.at[buf], ss).wait()
        pltpu.make_async_copy(z_hbm.at[idx_d.at[pl.ds(0, CHUNK)]],
                              rows_d.at[buf], sd).wait()

    def issue_out(ci, buf):
        pltpu.async_copy(out_vb.at[buf],
                         out_hbm.at[pl.ds(base + ci * CHUNK, CHUNK)],
                         osems[buf])

    def wait_out(buf):
        pltpu.make_async_copy(out_vb.at[buf],
                              out_hbm.at[pl.ds(0, CHUNK)], osems[buf]).wait()

    lane = lax.iota(jnp.int32, L)

    def compute(buf):
        rs = rows_s.at[buf]
        rd = rows_d.at[buf]
        ov = out_vb.at[buf]

        def group_wrap(g, carry2):
            def edge_body(em, tot):
                e = g * L + em
                acc = jnp.zeros((L,), jnp.float32)
                for k in range(0, w // L, 2):
                    vs0 = plsc.bitcast(rs[e, pl.ds(k * L, L)], jnp.bfloat16)
                    vd0 = plsc.bitcast(rd[e, pl.ds(k * L, L)], jnp.bfloat16)
                    vs1 = plsc.bitcast(rs[e, pl.ds((k + 1) * L, L)],
                                       jnp.bfloat16)
                    vd1 = plsc.bitcast(rd[e, pl.ds((k + 1) * L, L)],
                                       jnp.bfloat16)
                    p = vs0 * vd0 + vs1 * vd1
                    u0, u1 = plsc.unpack(p, format=plsc.PackFormat.INTERLEAVED)
                    acc = acc + u0 + u1
                val = jnp.sum(acc)
                return jnp.where(lane == em, jnp.full((L,), val, jnp.float32),
                                 tot)

            tot = lax.fori_loop(0, L, edge_body, jnp.zeros((L,), jnp.float32),
                                unroll=4)
            ov[pl.ds(g * L, L)] = tot
            return carry2

        lax.fori_loop(0, CHUNK // L, group_wrap, 0)

    issue(0, 0)

    def pair_body(h, carry):
        i = h * 2
        issue(i + 1, 1)
        wait(0)

        @pl.when(h > 0)
        def _():
            wait_out(0)

        compute(0)
        issue_out(i, 0)
        issue(i + 2, 0)
        wait(1)

        @pl.when(h > 0)
        def _():
            wait_out(1)

        compute(1)
        issue_out(i + 1, 1)
        return carry

    lax.fori_loop(0, (n_chunks - 1) // 2, pair_body, 0)
    wait(0)
    wait_out(0)
    compute(0)
    issue_out(n_chunks - 1, 0)
    wait_out(0)
    wait_out(1)


def kernel(z, source, destination):
    b = source.shape[0]
    d = z.shape[1]
    b_per_w = b // NW
    u = lax.bitcast_convert_type(z, jnp.uint32)
    r = (u + jnp.uint32(0x7FFF) + ((u >> 16) & jnp.uint32(1))) >> 16
    z = lax.bitcast_convert_type(r[:, :d // 2] | (r[:, d // 2:] << 16),
                                 jnp.int32)
    source = source.astype(jnp.int32)
    destination = destination.astype(jnp.int32)

    run = functools.partial(
        pl.kernel,
        mesh=plsc.VectorSubcoreMesh(core_axis_name="c", subcore_axis_name="s"),
        compiler_params=pltpu.CompilerParams(
            needs_layout_passes=False, use_tc_tiling_on_sc=False),
        out_type=jax.ShapeDtypeStruct((b,), jnp.float32),
        scratch_types=[
            pltpu.VMEM((b_per_w,), jnp.int32),
            pltpu.VMEM((b_per_w,), jnp.int32),
            pltpu.VMEM((2, CHUNK, d // 2), jnp.int32),
            pltpu.VMEM((2, CHUNK, d // 2), jnp.int32),
            pltpu.VMEM((2, CHUNK), jnp.float32),
            pltpu.SemaphoreType.DMA,
            pltpu.SemaphoreType.DMA,
            pltpu.SemaphoreType.DMA,
            pltpu.SemaphoreType.DMA,
            pltpu.SemaphoreType.DMA,
            pltpu.SemaphoreType.DMA,
            pltpu.SemaphoreType.DMA,
            pltpu.SemaphoreType.DMA,
        ],
    )(_decoder_kernel)
    return run(z, source, destination)

# --- scband reference (transcript-rebuilt; emitter-appended) ---
"""Pipeline reference for scband-inner-product-decoder-27539330302470 (READ-ONLY COPY).

The authoritative reference and input builder live on the scoring server;
editing this copy changes nothing except your own understanding.
"""

import jax, jax.numpy as jnp
import numpy as np


def setup_inputs(seed: int = 0) -> dict:
    key = jax.random.key(seed)
    k1, k2, k3 = jax.random.split(key, 3)
    z = jax.random.normal(k1, (10000, 128), dtype=jnp.float32)
    source = jax.random.randint(k2, (320000,), 0, 10000, dtype=jnp.int64 if jax.config.jax_enable_x64 else jnp.int32)
    destination = jax.random.randint(k3, (320000,), 0, 10000, dtype=jnp.int64 if jax.config.jax_enable_x64 else jnp.int32)
    return {"z": z, "source": source, "destination": destination}


def reference(z, source, destination):
    # value = (z[source] * z[destination]).sum(dim=1); sigmoid=False by default
    zs = jnp.take(z, source, axis=0)
    zd = jnp.take(z, destination, axis=0)
    value = (zs * zd).sum(axis=1)
    return value

if __name__ == "__main__":
    import jax
    _d = setup_inputs()
    print(jax.jit(kernel)(*tuple(_d.values())))

</pallas_src>

<mosaic_0001>
#map = affine_map<(d0, d1) -> (0, 0)>
#map1 = affine_map<(d0, d1) -> (0)>
module attributes {stable_mosaic.version = 14 : i64} {
  func.func @_decoder_kernel(%arg0: i32, %arg1: i32, %arg2: memref<10000x64xi32, #tpu.memory_space<hbm>>, %arg3: memref<320000xi32, #tpu.memory_space<hbm>>, %arg4: memref<320000xi32, #tpu.memory_space<hbm>>, %arg5: memref<320000xf32, #tpu.memory_space<hbm>>, %arg6: memref<10000xi32, #tpu.memory_space<vmem>>, %arg7: memref<10000xi32, #tpu.memory_space<vmem>>, %arg8: memref<2x400x64xi32, #tpu.memory_space<vmem>>, %arg9: memref<2x400x64xi32, #tpu.memory_space<vmem>>, %arg10: memref<2x400xf32, #tpu.memory_space<vmem>>, %arg11: memref<!tpu.dma_semaphore, #tpu.memory_space<semaphore_mem>>, %arg12: memref<!tpu.dma_semaphore, #tpu.memory_space<semaphore_mem>>, %arg13: memref<!tpu.dma_semaphore, #tpu.memory_space<semaphore_mem>>, %arg14: memref<!tpu.dma_semaphore, #tpu.memory_space<semaphore_mem>>, %arg15: memref<!tpu.dma_semaphore, #tpu.memory_space<semaphore_mem>>, %arg16: memref<!tpu.dma_semaphore, #tpu.memory_space<semaphore_mem>>, %arg17: memref<!tpu.dma_semaphore, #tpu.memory_space<semaphore_mem>>, %arg18: memref<!tpu.dma_semaphore, #tpu.memory_space<semaphore_mem>>) attributes {dimension_semantics = [#tpu.dimension_semantics<core_parallel>, #tpu.dimension_semantics<subcore_parallel>], iteration_bounds = array<i64: 2, 16>, scalar_prefetch = 0 : i64, scratch_operands = 13 : i64, tpu.core_type = #tpu.core_type<sc_vector_subcore>, window_params = [{transform_indices = #map}, {transform_indices = #map1}, {transform_indices = #map1}, {transform_indices = #map1}]} {
    %mul3A = arith.constant 2 : i32
    %mul3A_0 = arith.muli %arg1, %mul3A : i32
    %add3A = arith.addi %mul3A_0, %arg0 : i32
    %mul3A_1 = arith.constant 10000 : i32
    %mul3A_2 = arith.muli %add3A, %mul3A_1 : i32
    %dma_start3A = tpu.memref_slice %arg3[%mul3A_2] : memref<320000xi32, #tpu.memory_space<hbm>> -> memref<10000xi32, #tpu.memory_space<hbm>>
    %dma_start3A_3 = tpu.memref_slice %arg3[%mul3A_2] : memref<320000xi32, #tpu.memory_space<hbm>> -> memref<10000xi32, #tpu.memory_space<hbm>>
    tpu.enqueue_dma source(%dma_start3A_3 : memref<10000xi32, #tpu.memory_space<hbm>>) target(%arg6 : memref<10000xi32, #tpu.memory_space<vmem>>) target_semaphore(%arg11 : memref<!tpu.dma_semaphore, #tpu.memory_space<semaphore_mem>>)
    %dma_start3A_4 = tpu.memref_slice %arg4[%mul3A_2] : memref<320000xi32, #tpu.memory_space<hbm>> -> memref<10000xi32, #tpu.memory_space<hbm>>
    %dma_start3A_5 = tpu.memref_slice %arg4[%mul3A_2] : memref<320000xi32, #tpu.memory_space<hbm>> -> memref<10000xi32, #tpu.memory_space<hbm>>
    tpu.enqueue_dma source(%dma_start3A_5 : memref<10000xi32, #tpu.memory_space<hbm>>) target(%arg7 : memref<10000xi32, #tpu.memory_space<vmem>>) target_semaphore(%arg12 : memref<!tpu.dma_semaphore, #tpu.memory_space<semaphore_mem>>)
    %dma_wait3A = tpu.memref_slice %arg3[%mul3A_2] : memref<320000xi32, #tpu.memory_space<hbm>> -> memref<10000xi32, #tpu.memory_space<hbm>>
    %dma_wait3A_6 = tpu.memref_slice %arg3[%mul3A_2] : memref<320000xi32, #tpu.memory_space<hbm>> -> memref<10000xi32, #tpu.memory_space<hbm>>
    tpu.wait_dma2 semaphore(%arg11 : memref<!tpu.dma_semaphore, #tpu.memory_space<semaphore_mem>>) src(%dma_wait3A_6 : memref<10000xi32, #tpu.memory_space<hbm>>) dst(%arg6 : memref<10000xi32, #tpu.memory_space<vmem>>)
    %dma_wait3A_7 = tpu.memref_slice %arg4[%mul3A_2] : memref<320000xi32, #tpu.memory_space<hbm>> -> memref<10000xi32, #tpu.memory_space<hbm>>
    %dma_wait3A_8 = tpu.memref_slice %arg4[%mul3A_2] : memref<320000xi32, #tpu.memory_space<hbm>> -> memref<10000xi32, #tpu.memory_space<hbm>>
    tpu.wait_dma2 semaphore(%arg12 : memref<!tpu.dma_semaphore, #tpu.memory_space<semaphore_mem>>) src(%dma_wait3A_8 : memref<10000xi32, #tpu.memory_space<hbm>>) dst(%arg7 : memref<10000xi32, #tpu.memory_space<vmem>>)
    %iota3A = tpu.iota {dimensions = array<i32: 0>} : vector<16xi32>
    %dma_start3A_9 = arith.constant 0 : i32
    %dma_start3A_10 = arith.constant 0 : i32
    %dma_start3A_11 = arith.constant 0 : i32
    %dma_start3A_12 = tpu.memref_slice %arg8[%dma_start3A_9, %dma_start3A_10, %dma_start3A_11] : memref<2x400x64xi32, #tpu.memory_space<vmem>> -> memref<1x400x64xi32, #tpu.memory_space<vmem>>
    %dma_start3A_13 = tpu.memref_squeeze %dma_start3A_12 : memref<1x400x64xi32, #tpu.memory_space<vmem>> -> memref<400x64xi32, #tpu.memory_space<vmem>>
    %dma_start3A_14 = arith.constant 0 : i32
    %dma_start3A_15 = tpu.memref_slice %arg6[%dma_start3A_14] : memref<10000xi32, #tpu.memory_space<vmem>> -> memref<400xi32, #tpu.memory_space<vmem>>
    %dma_start3A_16 = arith.constant 0 : i32
    %dma_start3A_17 = arith.constant 0 : i32
    %dma_start3A_18 = tpu.memref_slice %arg2[%dma_start3A_16, %dma_start3A_17] : memref<10000x64xi32, #tpu.memory_space<hbm>> -> memref<10000x64xi32, #tpu.memory_space<hbm>>
    tpu.enqueue_indirect_dma source(%dma_start3A_18 : memref<10000x64xi32, #tpu.memory_space<hbm>>) target(%dma_start3A_13 : memref<400x64xi32, #tpu.memory_space<vmem>>) offsets(%dma_start3A_15 : memref<400xi32, #tpu.memory_space<vmem>>) semaphore(%arg13 : memref<!tpu.dma_semaphore, #tpu.memory_space<semaphore_mem>>)
    %dma_start3A_19 = arith.constant 0 : i32
    %dma_start3A_20 = arith.constant 0 : i32
    %dma_start3A_21 = arith.constant 0 : i32
    %dma_start3A_22 = tpu.memref_slice %arg9[%dma_start3A_19, %dma_start3A_20, %dma_start3A_21] : memref<2x400x64xi32, #tpu.memory_space<vmem>> -> memref<1x400x64xi32, #tpu.memory_space<vmem>>
    %dma_start3A_23 = tpu.memref_squeeze %dma_start3A_22 : memref<1x400x64xi32, #tpu.memory_space<vmem>> -> memref<400x64xi32, #tpu.memory_space<vmem>>
    %dma_start3A_24 = arith.constant 0 : i32
    %dma_start3A_25 = tpu.memref_slice %arg7[%dma_start3A_24] : memref<10000xi32, #tpu.memory_space<vmem>> -> memref<400xi32, #tpu.memory_space<vmem>>
    %dma_start3A_26 = arith.constant 0 : i32
    %dma_start3A_27 = arith.constant 0 : i32
    %dma_start3A_28 = tpu.memref_slice %arg2[%dma_start3A_26, %dma_start3A_27] : memref<10000x64xi32, #tpu.memory_space<hbm>> -> memref<10000x64xi32, #tpu.memory_space<hbm>>
    tpu.enqueue_indirect_dma source(%dma_start3A_28 : memref<10000x64xi32, #tpu.memory_space<hbm>>) target(%dma_start3A_23 : memref<400x64xi32, #tpu.memory_space<vmem>>) offsets(%dma_start3A_25 : memref<400xi32, #tpu.memory_space<vmem>>) semaphore(%arg14 : memref<!tpu.dma_semaphore, #tpu.memory_space<semaphore_mem>>)
    %scan3A = arith.constant 0 : i32
    %scan3A_29 = arith.constant 0 : i32
    %scan3A_30 = arith.constant 12 : i32
    %scan3A_31 = arith.addi %scan3A_29, %scan3A_30 : i32
    %scan3A_32 = arith.constant 1 : i32
    scf.for %scan3A_107 = %scan3A_29 to %scan3A_31 step %scan3A_32  : i32 {
      %mul3A_108 = arith.constant 2 : i32
      %mul3A_109 = arith.muli %scan3A_107, %mul3A_108 : i32
      %add3A_110 = arith.constant 1 : i32
      %add3A_111 = arith.addi %mul3A_109, %add3A_110 : i32
      %mul3A_112 = arith.constant 400 : i32
      %mul3A_113 = arith.muli %add3A_111, %mul3A_112 : i32
      %dma_start3A_114 = arith.constant 1 : i32
      %dma_start3A_115 = arith.constant 0 : i32
      %dma_start3A_116 = arith.constant 0 : i32
      %dma_start3A_117 = tpu.memref_slice %arg8[%dma_start3A_114, %dma_start3A_115, %dma_start3A_116] : memref<2x400x64xi32, #tpu.memory_space<vmem>> -> memref<1x400x64xi32, #tpu.memory_space<vmem>>
      %dma_start3A_118 = tpu.memref_squeeze %dma_start3A_117 : memref<1x400x64xi32, #tpu.memory_space<vmem>> -> memref<400x64xi32, #tpu.memory_space<vmem>>
      %dma_start3A_119 = tpu.memref_slice %arg6[%mul3A_113] : memref<10000xi32, #tpu.memory_space<vmem>> -> memref<400xi32, #tpu.memory_space<vmem>>
      %dma_start3A_120 = arith.constant 0 : i32
      %dma_start3A_121 = arith.constant 0 : i32
      %dma_start3A_122 = tpu.memref_slice %arg2[%dma_start3A_120, %dma_start3A_121] : memref<10000x64xi32, #tpu.memory_space<hbm>> -> memref<10000x64xi32, #tpu.memory_space<hbm>>
      tpu.enqueue_indirect_dma source(%dma_start3A_122 : memref<10000x64xi32, #tpu.memory_space<hbm>>) target(%dma_start3A_118 : memref<400x64xi32, #tpu.memory_space<vmem>>) offsets(%dma_start3A_119 : memref<400xi32, #tpu.memory_space<vmem>>) semaphore(%arg15 : memref<!tpu.dma_semaphore, #tpu.memory_space<semaphore_mem>>)
      %mul3A_123 = arith.constant 400 : i32
      %mul3A_124 = arith.muli %add3A_111, %mul3A_123 : i32
      %dma_start3A_125 = arith.constant 1 : i32
      %dma_start3A_126 = arith.constant 0 : i32
      %dma_start3A_127 = arith.constant 0 : i32
      %dma_start3A_128 = tpu.memref_slice %arg9[%dma_start3A_125, %dma_start3A_126, %dma_start3A_127] : memref<2x400x64xi32, #tpu.memory_space<vmem>> -> memref<1x400x64xi32, #tpu.memory_space<vmem>>
      %dma_start3A_129 = tpu.memref_squeeze %dma_start3A_128 : memref<1x400x64xi32, #tpu.memory_space<vmem>> -> memref<400x64xi32, #tpu.memory_space<vmem>>
      %dma_start3A_130 = tpu.memref_slice %arg7[%mul3A_124] : memref<10000xi32, #tpu.memory_space<vmem>> -> memref<400xi32, #tpu.memory_space<vmem>>
      %dma_start3A_131 = arith.constant 0 : i32
      %dma_start3A_132 = arith.constant 0 : i32
      %dma_start3A_133 = tpu.memref_slice %arg2[%dma_start3A_131, %dma_start3A_132] : memref<10000x64xi32, #tpu.memory_space<hbm>> -> memref<10000x64xi32, #tpu.memory_space<hbm>>
      tpu.enqueue_indirect_dma source(%dma_start3A_133 : memref<10000x64xi32, #tpu.memory_space<hbm>>) target(%dma_start3A_129 : memref<400x64xi32, #tpu.memory_space<vmem>>) offsets(%dma_start3A_130 : memref<400xi32, #tpu.memory_space<vmem>>) semaphore(%arg16 : memref<!tpu.dma_semaphore, #tpu.memory_space<semaphore_mem>>)
      %dma_wait3A_134 = arith.constant 0 : i32
      %dma_wait3A_135 = arith.constant 0 : i32
      %dma_wait3A_136 = arith.constant 0 : i32
      %dma_wait3A_137 = tpu.memref_slice %arg8[%dma_wait3A_134, %dma_wait3A_135, %dma_wait3A_136] : memref<2x400x64xi32, #tpu.memory_space<vmem>> -> memref<1x400x64xi32, #tpu.memory_space<vmem>>
      %dma_wait3A_138 = tpu.memref_squeeze %dma_wait3A_137 : memref<1x400x64xi32, #tpu.memory_space<vmem>> -> memref<400x64xi32, #tpu.memory_space<vmem>>
      %dma_wait3A_139 = arith.constant 0 : i32
      %dma_wait3A_140 = tpu.memref_slice %arg6[%dma_wait3A_139] : memref<10000xi32, #tpu.memory_space<vmem>> -> memref<400xi32, #tpu.memory_space<vmem>>
      %dma_wait3A_141 = arith.constant 0 : i32
      %dma_wait3A_142 = arith.constant 0 : i32
      %dma_wait3A_143 = tpu.memref_slice %arg2[%dma_wait3A_141, %dma_wait3A_142] : memref<10000x64xi32, #tpu.memory_space<hbm>> -> memref<10000x64xi32, #tpu.memory_space<hbm>>
      tpu.wait_indirect_dma semaphore(%arg13 : memref<!tpu.dma_semaphore, #tpu.memory_space<semaphore_mem>>) src(%dma_wait3A_143 : memref<10000x64xi32, #tpu.memory_space<hbm>>) dst(%dma_wait3A_138 : memref<400x64xi32, #tpu.memory_space<vmem>>)
      %dma_wait3A_144 = arith.constant 0 : i32
      %dma_wait3A_145 = arith.constant 0 : i32
      %dma_wait3A_146 = arith.constant 0 : i32
      %dma_wait3A_147 = tpu.memref_slice %arg9[%dma_wait3A_144, %dma_wait3A_145, %dma_wait3A_146] : memref<2x400x64xi32, #tpu.memory_space<vmem>> -> memref<1x400x64xi32, #tpu.memory_space<vmem>>
      %dma_wait3A_148 = tpu.memref_squeeze %dma_wait3A_147 : memref<1x400x64xi32, #tpu.memory_space<vmem>> -> memref<400x64xi32, #tpu.memory_space<vmem>>
      %dma_wait3A_149 = arith.constant 0 : i32
      %dma_wait3A_150 = tpu.memref_slice %arg7[%dma_wait3A_149] : memref<10000xi32, #tpu.memory_space<vmem>> -> memref<400xi32, #tpu.memory_space<vmem>>
      %dma_wait3A_151 = arith.constant 0 : i32
      %dma_wait3A_152 = arith.constant 0 : i32
      %dma_wait3A_153 = tpu.memref_slice %arg2[%dma_wait3A_151, %dma_wait3A_152] : memref<10000x64xi32, #tpu.memory_space<hbm>> -> memref<10000x64xi32, #tpu.memory_space<hbm>>
      tpu.wait_indirect_dma semaphore(%arg14 : memref<!tpu.dma_semaphore, #tpu.memory_space<semaphore_mem>>) src(%dma_wait3A_153 : memref<10000x64xi32, #tpu.memory_space<hbm>>) dst(%dma_wait3A_148 : memref<400x64xi32, #tpu.memory_space<vmem>>)
      %gt3A = arith.constant 0 : i32
      %gt3A_154 = arith.cmpi sgt, %scan3A_107, %gt3A : i32
      %convert_element_type3A = arith.extui %gt3A_154 : i1 to i32
      %cond3A = arith.constant 0 : i32
      %cond3A_155 = arith.cmpi ne, %convert_element_type3A, %cond3A : i32
      scf.if %cond3A_155 {
        %dma_wait3A_249 = arith.constant 0 : i32
        %dma_wait3A_250 = arith.constant 0 : i32
        %dma_wait3A_251 = tpu.memref_slice %arg10[%dma_wait3A_249, %dma_wait3A_250] : memref<2x400xf32, #tpu.memory_space<vmem>> -> memref<1x400xf32, #tpu.memory_space<vmem>>
        %dma_wait3A_252 = tpu.memref_squeeze %dma_wait3A_251 : memref<1x400xf32, #tpu.memory_space<vmem>> -> memref<400xf32, #tpu.memory_space<vmem>>
        %dma_wait3A_253 = arith.constant 0 : i32
        %dma_wait3A_254 = tpu.memref_slice %arg5[%dma_wait3A_253] : memref<320000xf32, #tpu.memory_space<hbm>> -> memref<400xf32, #tpu.memory_space<hbm>>
        %dma_wait3A_255 = arith.constant 0 : i32
        %dma_wait3A_256 = tpu.memref_slice %arg5[%dma_wait3A_255] : memref<320000xf32, #tpu.memory_space<hbm>> -> memref<400xf32, #tpu.memory_space<hbm>>
        %dma_wait3A_257 = arith.constant 0 : i32
        %dma_wait3A_258 = tpu.memref_slice %arg10[%dma_wait3A_249, %dma_wait3A_257] : memref<2x400xf32, #tpu.memory_space<vmem>> -> memref<1x400xf32, #tpu.memory_space<vmem>>
        %dma_wait3A_259 = tpu.memref_squeeze %dma_wait3A_258 : memref<1x400xf32, #tpu.memory_space<vmem>> -> memref<400xf32, #tpu.memory_space<vmem>>
        tpu.wait_dma2 semaphore(%arg17 : memref<!tpu.dma_semaphore, #tpu.memory_space<semaphore_mem>>) src(%dma_wait3A_259 : memref<400xf32, #tpu.memory_space<vmem>>) dst(%dma_wait3A_256 : memref<400xf32, #tpu.memory_space<hbm>>)
      } else {
      }
      %scan3A_156 = arith.constant 0 : i32
      %scan3A_157 = arith.constant 0 : i32
      %scan3A_158 = arith.constant 0 : i32
      %scan3A_159 = arith.constant 0 : i32
      %scan3A_160 = arith.constant 0 : i32
      %scan3A_161 = arith.constant 25 : i32
      %scan3A_162 = arith.addi %scan3A_160, %scan3A_161 : i32
      %scan3A_163 = arith.constant 1 : i32
      scf.for %scan3A_249 = %scan3A_160 to %scan3A_162 step %scan3A_163  : i32 {
        %broadcast_in_dim3A = arith.constant 0.000000e+00 : f32
        %broadcast_in_dim3A_250 = vector.broadcast %broadcast_in_dim3A : f32 to vector<16xf32>
        %scan3A_251 = arith.constant 0 : i32
        %scan3A_252 = arith.constant 16 : i32
        %scan3A_253 = arith.addi %scan3A_251, %scan3A_252 : i32
        %scan3A_254 = arith.constant 4 : i32
        %scan3A_255 = scf.for %scan3A_263 = %scan3A_251 to %scan3A_253 step %scan3A_254 iter_args(%scan3A_264 = %broadcast_in_dim3A_250) -> (vector<16xf32>)  : i32 {
          %mul3A_265 = arith.constant 16 : i32
          %mul3A_266 = arith.muli %scan3A_249, %mul3A_265 : i32
          %add3A_267 = arith.addi %mul3A_266, %scan3A_263 : i32
          %broadcast_in_dim3A_268 = arith.constant 0.000000e+00 : f32
          %broadcast_in_dim3A_269 = vector.broadcast %broadcast_in_dim3A_268 : f32 to vector<16xf32>
          %get3A = arith.constant 0 : i32
          %get3A_270 = arith.constant 0 : i32
          %get3A_271 = tpu.memref_slice %arg8[%scan3A_157, %get3A, %get3A_270] : memref<2x400x64xi32, #tpu.memory_space<vmem>> -> memref<1x400x64xi32, #tpu.memory_space<vmem>>
          %get3A_272 = tpu.memref_squeeze %get3A_271 : memref<1x400x64xi32, #tpu.memory_space<vmem>> -> memref<400x64xi32, #tpu.memory_space<vmem>>
          %get3A_273 = arith.index_cast %add3A_267 : i32 to index
          %get3A_274 = arith.constant 0 : index
          %get3A_275 = tpu.vector_load %get3A_272[%get3A_273, %get3A_274] {strides = array<i32>} : memref<400x64xi32, #tpu.memory_space<vmem>>, vector<16xi32>,
          %bitcast3A = vector.bitcast %get3A_275 : vector<16xi32> to vector<32xbf16>
          %get3A_276 = arith.constant 0 : i32
          %get3A_277 = arith.constant 0 : i32
          %get3A_278 = tpu.memref_slice %arg9[%scan3A_158, %get3A_276, %get3A_277] : memref<2x400x64xi32, #tpu.memory_space<vmem>> -> memref<1x400x64xi32, #tpu.memory_space<vmem>>
          %get3A_279 = tpu.memref_squeeze %get3A_278 : memref<1x400x64xi32, #tpu.memory_space<vmem>> -> memref<400x64xi32, #tpu.memory_space<vmem>>
          %get3A_280 = arith.index_cast %add3A_267 : i32 to index
          %get3A_281 = arith.constant 0 : index
          %get3A_282 = tpu.vector_load %get3A_279[%get3A_280, %get3A_281] {strides = array<i32>} : memref<400x64xi32, #tpu.memory_space<vmem>>, vector<16xi32>,
          %bitcast3A_283 = vector.bitcast %get3A_282 : vector<16xi32> to vector<32xbf16>
          %get3A_284 = arith.constant 0 : i32
          %get3A_285 = arith.constant 0 : i32
          %get3A_286 = tpu.memref_slice %arg8[%scan3A_157, %get3A_284, %get3A_285] : memref<2x400x64xi32, #tpu.memory_space<vmem>> -> memref<1x400x64xi32, #tpu.memory_space<vmem>>
          %get3A_287 = tpu.memref_squeeze %get3A_286 : memref<1x400x64xi32, #tpu.memory_space<vmem>> -> memref<400x64xi32, #tpu.memory_space<vmem>>
          %get3A_288 = arith.index_cast %add3A_267 : i32 to index
          %get3A_289 = arith.constant 16 : index
          %get3A_290 = tpu.vector_load %get3A_287[%get3A_288, %get3A_289] {strides = array<i32>} : memref<400x64xi32, #tpu.memory_space<vmem>>, vector<16xi32>,
          %bitcast3A_291 = vector.bitcast %get3A_290 : vector<16xi32> to vector<32xbf16>
          %get3A_292 = arith.constant 0 : i32
          %get3A_293 = arith.constant 0 : i32
          %get3A_294 = tpu.memref_slice %arg9[%scan3A_158, %get3A_292, %get3A_293] : memref<2x400x64xi32, #tpu.memory_space<vmem>> -> memref<1x400x64xi32, #tpu.memory_space<vmem>>
          %get3A_295 = tpu.memref_squeeze %get3A_294 : memref<1x400x64xi32, #tpu.memory_space<vmem>> -> memref<400x64xi32, #tpu.memory_space<vmem>>
          %get3A_296 = arith.index_cast %add3A_267 : i32 to index
          %get3A_297 = arith.constant 16 : index
          %get3A_298 = tpu.vector_load %get3A_295[%get3A_296, %get3A_297] {strides = array<i32>} : memref<400x64xi32, #tpu.memory_space<vmem>>, vector<16xi32>,
          %bitcast3A_299 = vector.bitcast %get3A_298 : vector<16xi32> to vector<32xbf16>
          %mul3A_300 = arith.mulf %bitcast3A, %bitcast3A_283 : vector<32xbf16>
          %mul3A_301 = arith.mulf %bitcast3A_291, %bitcast3A_299 : vector<32xbf16>
          %add3A_302 = arith.addf %mul3A_300, %mul3A_301 : vector<32xbf16>
          %unpack3A = tpu.unpack_subelements %add3A_302, 0 {pack_format = #tpu.pack_format<interleaved>} : vector<32xbf16> -> vector<16xf32>
          %unpack3A_303 = tpu.unpack_subelements %add3A_302, 1 {pack_format = #tpu.pack_format<interleaved>} : vector<32xbf16> -> vector<16xf32>
          %add3A_304 = arith.addf %broadcast_in_dim3A_269, %unpack3A : vector<16xf32>
          %add3A_305 = arith.addf %add3A_304, %unpack3A_303 : vector<16xf32>
          %get3A_306 = arith.constant 0 : i32
          %get3A_307 = arith.constant 0 : i32
          %get3A_308 = tpu.memref_slice %arg8[%scan3A_157, %get3A_306, %get3A_307] : memref<2x400x64xi32, #tpu.memory_space<vmem>> -> memref<1x400x64xi32, #tpu.memory_space<vmem>>
          %get3A_309 = tpu.memref_squeeze %get3A_308 : memref<1x400x64xi32, #tpu.memory_space<vmem>> -> memref<400x64xi32, #tpu.memory_space<vmem>>
          %get3A_310 = arith.index_cast %add3A_267 : i32 to index
          %get3A_311 = arith.constant 32 : index
          %get3A_312 = tpu.vector_load %get3A_309[%get3A_310, %get3A_311] {strides = array<i32>} : memref<400x64xi32, #tpu.memory_space<vmem>>, vector<16xi32>,
          %bitcast3A_313 = vector.bitcast %get3A_312 : vector<16xi32> to vector<32xbf16>
          %get3A_314 = arith.constant 0 : i32
          %get3A_315 = arith.constant 0 : i32
          %get3A_316 = tpu.memref_slice %arg9[%scan3A_158, %get3A_314, %get3A_315] : memref<2x400x64xi32, #tpu.memory_space<vmem>> -> memref<1x400x64xi32, #tpu.memory_space<vmem>>
          %get3A_317 = tpu.memref_squeeze %get3A_316 : memref<1x400x64xi32, #tpu.memory_space<vmem>> -> memref<400x64xi32, #tpu.memory_space<vmem>>
          %get3A_318 = arith.index_cast %add3A_267 : i32 to index
          %get3A_319 = arith.constant 32 : index
          %get3A_320 = tpu.vector_load %get3A_317[%get3A_318, %get3A_319] {strides = array<i32>} : memref<400x64xi32, #tpu.memory_space<vmem>>, vector<16xi32>,
          %bitcast3A_321 = vector.bitcast %get3A_320 : vector<16xi32> to vector<32xbf16>
          %get3A_322 = arith.constant 0 : i32
          %get3A_323 = arith.constant 0 : i32
          %get3A_324 = tpu.memref_slice %arg8[%scan3A_157, %get3A_322, %get3A_323] : memref<2x400x64xi32, #tpu.memory_space<vmem>> -> memref<1x400x64xi32, #tpu.memory_space<vmem>>
          %get3A_325 = tpu.memref_squeeze %get3A_324 : memref<1x400x64xi32, #tpu.memory_space<vmem>> -> memref<400x64xi32, #tpu.memory_space<vmem>>
          %get3A_326 = arith.index_cast %add3A_267 : i32 to index
          %get3A_327 = arith.constant 48 : index
          %get3A_328 = tpu.vector_load %get3A_325[%get3A_326, %get3A_327] {strides = array<i32>} : memref<400x64xi32, #tpu.memory_space<vmem>>, vector<16xi32>,
          %bitcast3A_329 = vector.bitcast %get3A_328 : vector<16xi32> to vector<32xbf16>
          %get3A_330 = arith.constant 0 : i32
          %get3A_331 = arith.constant 0 : i32
          %get3A_332 = tpu.memref_slice %arg9[%scan3A_158, %get3A_330, %get3A_331] : memref<2x400x64xi32, #tpu.memory_space<vmem>> -> memref<1x400x64xi32, #tpu.memory_space<vmem>>
          %get3A_333 = tpu.memref_squeeze %get3A_332 : memref<1x400x64xi32, #tpu.memory_space<vmem>> -> memref<400x64xi32, #tpu.memory_space<vmem>>
          %get3A_334 = arith.index_cast %add3A_267 : i32 to index
          %get3A_335 = arith.constant 48 : index
          %get3A_336 = tpu.vector_load %get3A_333[%get3A_334, %get3A_335] {strides = array<i32>} : memref<400x64xi32, #tpu.memory_space<vmem>>, vector<16xi32>,
          %bitcast3A_337 = vector.bitcast %get3A_336 : vector<16xi32> to vector<32xbf16>
          %mul3A_338 = arith.mulf %bitcast3A_313, %bitcast3A_321 : vector<32xbf16>
          %mul3A_339 = arith.mulf %bitcast3A_329, %bitcast3A_337 : vector<32xbf16>
          %add3A_340 = arith.addf %mul3A_338, %mul3A_339 : vector<32xbf16>
          %unpack3A_341 = tpu.unpack_subelements %add3A_340, 0 {pack_format = #tpu.pack_format<interleaved>} : vector<32xbf16> -> vector<16xf32>
          %unpack3A_342 = tpu.unpack_subelements %add3A_340, 1 {pack_format = #tpu.pack_format<interleaved>} : vector<32xbf16> -> vector<16xf32>
          %add3A_343 = arith.addf %add3A_305, %unpack3A_341 : vector<16xf32>
          %add3A_344 = arith.addf %add3A_343, %unpack3A_342 : vector<16xf32>
          %reduce_sum3A = arith.constant true
          %reduce_sum3A_345 = vector.broadcast %reduce_sum3A : i1 to vector<16xi1>
          %reduce_sum3A_346 = tpu.scan <sum>, %add3A_344 masked %reduce_sum3A_345 : vector<16xf32>, vector<16xi1> -> vector<16xf32>
          %reduce_sum3A_347 = vector.extract %reduce_sum3A_346[15] : f32 from vector<16xf32>
          %eq3A = vector.broadcast %scan3A_263 : i32 to vector<16xi32>
          %eq3A_348 = arith.cmpi eq, %iota3A, %eq3A : vector<16xi32>
          %broadcast_in_dim3A_349 = vector.broadcast %reduce_sum3A_347 : f32 to vector<16xf32>
          %select_n3A = arith.select %eq3A_348, %broadcast_in_dim3A_349, %scan3A_264 : vector<16xi1>, vector<16xf32>
          %scan3A_350 = arith.constant 1 : i32
          %scan3A_351 = arith.addi %scan3A_263, %scan3A_350 : i32
          %mul3A_352 = arith.constant 16 : i32
          %mul3A_353 = arith.muli %scan3A_249, %mul3A_352 : i32
          %add3A_354 = arith.addi %mul3A_353, %scan3A_351 : i32
          %broadcast_in_dim3A_355 = arith.constant 0.000000e+00 : f32
          %broadcast_in_dim3A_356 = vector.broadcast %broadcast_in_dim3A_355 : f32 to vector<16xf32>
          %get3A_357 = arith.constant 0 : i32
          %get3A_358 = arith.constant 0 : i32
          %get3A_359 = tpu.memref_slice %arg8[%scan3A_157, %get3A_357, %get3A_358] : memref<2x400x64xi32, #tpu.memory_space<vmem>> -> memref<1x400x64xi32, #tpu.memory_space<vmem>>
          %get3A_360 = tpu.memref_squeeze %get3A_359 : memref<1x400x64xi32, #tpu.memory_space<vmem>> -> memref<400x64xi32, #tpu.memory_space<vmem>>
          %get3A_361 = arith.index_cast %add3A_354 : i32 to index
          %get3A_362 = arith.constant 0 : index
          %get3A_363 = tpu.vector_load %get3A_360[%get3A_361, %get3A_362] {strides = array<i32>} : memref<400x64xi32, #tpu.memory_space<vmem>>, vector<16xi32>,
          %bitcast3A_364 = vector.bitcast %get3A_363 : vector<16xi32> to vector<32xbf16>
          %get3A_365 = arith.constant 0 : i32
          %get3A_366 = arith.constant 0 : i32
          %get3A_367 = tpu.memref_slice %arg9[%scan3A_158, %get3A_365, %get3A_366] : memref<2x400x64xi32, #tpu.memory_space<vmem>> -> memref<1x400x64xi32, #tpu.memory_space<vmem>>
          %get3A_368 = tpu.memref_squeeze %get3A_367 : memref<1x400x64xi32, #tpu.memory_space<vmem>> -> memref<400x64xi32, #tpu.memory_space<vmem>>
          %get3A_369 = arith.index_cast %add3A_354 : i32 to index
          %get3A_370 = arith.constant 0 : index
          %get3A_371 = tpu.vector_load %get3A_368[%get3A_369, %get3A_370] {strides = array<i32>} : memref<400x64xi32, #tpu.memory_space<vmem>>, vector<16xi32>,
          %bitcast3A_372 = vector.bitcast %get3A_371 : vector<16xi32> to vector<32xbf16>
          %get3A_373 = arith.constant 0 : i32
          %get3A_374 = arith.constant 0 : i32
          %get3A_375 = tpu.memref_slice %arg8[%scan3A_157, %get3A_373, %get3A_374] : memref<2x400x64xi32, #tpu.memory_space<vmem>> -> memref<1x400x64xi32, #tpu.memory_space<vmem>>
          %get3A_376 = tpu.memref_squeeze %get3A_375 : memref<1x400x64xi32, #tpu.memory_space<vmem>> -> memref<400x64xi32, #tpu.memory_space<vmem>>
          %get3A_377 = arith.index_cast %add3A_354 : i32 to index
          %get3A_378 = arith.constant 16 : index
          %get3A_379 = tpu.vector_load %get3A_376[%get3A_377, %get3A_378] {strides = array<i32>} : memref<400x64xi32, #tpu.memory_space<vmem>>, vector<16xi32>,
          %bitcast3A_380 = vector.bitcast %get3A_379 : vector<16xi32> to vector<32xbf16>
          %get3A_381 = arith.constant 0 : i32
          %get3A_382 = arith.constant 0 : i32
          %get3A_383 = tpu.memref_slice %arg9[%scan3A_158, %get3A_381, %get3A_382] : memref<2x400x64xi32, #tpu.memory_space<vmem>> -> memref<1x400x64xi32, #tpu.memory_space<vmem>>
          %get3A_384 = tpu.memref_squeeze %get3A_383 : memref<1x400x64xi32, #tpu.memory_space<vmem>> -> memref<400x64xi32, #tpu.memory_space<vmem>>
          %get3A_385 = arith.index_cast %add3A_354 : i32 to index
          %get3A_386 = arith.constant 16 : index
          %get3A_387 = tpu.vector_load %get3A_384[%get3A_385, %get3A_386] {strides = array<i32>} : memref<400x64xi32, #tpu.memory_space<vmem>>, vector<16xi32>,
          %bitcast3A_388 = vector.bitcast %get3A_387 : vector<16xi32> to vector<32xbf16>
          %mul3A_389 = arith.mulf %bitcast3A_364, %bitcast3A_372 : vector<32xbf16>
          %mul3A_390 = arith.mulf %bitcast3A_380, %bitcast3A_388 : vector<32xbf16>
          %add3A_391 = arith.addf %mul3A_389, %mul3A_390 : vector<32xbf16>
          %unpack3A_392 = tpu.unpack_subelements %add3A_391, 0 {pack_format = #tpu.pack_format<interleaved>} : vector<32xbf16> -> vector<16xf32>
          %unpack3A_393 = tpu.unpack_subelements %add3A_391, 1 {pack_format = #tpu.pack_format<interleaved>} : vector<32xbf16> -> vector<16xf32>
          %add3A_394 = arith.addf %broadcast_in_dim3A_356, %unpack3A_392 : vector<16xf32>
          %add3A_395 = arith.addf %add3A_394, %unpack3A_393 : vector<16xf32>
          %get3A_396 = arith.constant 0 : i32
          %get3A_397 = arith.constant 0 : i32
          %get3A_398 = tpu.memref_slice %arg8[%scan3A_157, %get3A_396, %get3A_397] : memref<2x400x64xi32, #tpu.memory_space<vmem>> -> memref<1x400x64xi32, #tpu.memory_space<vmem>>
          %get3A_399 = tpu.memref_squeeze %get3A_398 : memref<1x400x64xi32, #tpu.memory_space<vmem>> -> memref<400x64xi32, #tpu.memory_space<vmem>>
          %get3A_400 = arith.index_cast %add3A_354 : i32 to index
          %get3A_401 = arith.constant 32 : index
          %get3A_402 = tpu.vector_load %get3A_399[%get3A_400, %get3A_401] {strides = array<i32>} : memref<400x64xi32, #tpu.memory_space<vmem>>, vector<16xi32>,
          %bitcast3A_403 = vector.bitcast %get3A_402 : vector<16xi32> to vector<32xbf16>
          %get3A_404 = arith.constant 0 : i32
          %get3A_405 = arith.constant 0 : i32
          %get3A_406 = tpu.memref_slice %arg9[%scan3A_158, %get3A_404, %get3A_405] : memref<2x400x64xi32, #tpu.memory_space<vmem>> -> memref<1x400x64xi32, #tpu.memory_space<vmem>>
          %get3A_407 = tpu.memref_squeeze %get3A_406 : memref<1x400x64xi32, #tpu.memory_space<vmem>> -> memref<400x64xi32, #tpu.memory_space<vmem>>
          %get3A_408 = arith.index_cast %add3A_354 : i32 to index
          %get3A_409 = arith.constant 32 : index
          %get3A_410 = tpu.vector_load %get3A_407[%get3A_408, %get3A_409] {strides = array<i32>} : memref<400x64xi32, #tpu.memory_space<vmem>>, vector<16xi32>,
          %bitcast3A_411 = vector.bitcast %get3A_410 : vector<16xi32> to vector<32xbf16>
          %get3A_412 = arith.constant 0 : i32
          %get3A_413 = arith.constant 0 : i32
          %get3A_414 = tpu.memref_slice %arg8[%scan3A_157, %get3A_412, %get3A_413] : memref<2x400x64xi32, #tpu.memory_space<vmem>> -> memref<1x400x64xi32, #tpu.memory_space<vmem>>
          %get3A_415 = tpu.memref_squeeze %get3A_414 : memref<1x400x64xi32, #tpu.memory_space<vmem>> -> memref<400x64xi32, #tpu.memory_space<vmem>>
          %get3A_416 = arith.index_cast %add3A_354 : i32 to index
          %get3A_417 = arith.constant 48 : index
          %get3A_418 = tpu.vector_load %get3A_415[%get3A_416, %get3A_417] {strides = array<i32>} : memref<400x64xi32, #tpu.memory_space<vmem>>, vector<16xi32>,
          %bitcast3A_419 = vector.bitcast %get3A_418 : vector<16xi32> to vector<32xbf16>
          %get3A_420 = arith.constant 0 : i32
          %get3A_421 = arith.constant 0 : i32
          %get3A_422 = tpu.memref_slice %arg9[%scan3A_158, %get3A_420, %get3A_421] : memref<2x400x64xi32, #tpu.memory_space<vmem>> -> memref<1x400x64xi32, #tpu.memory_space<vmem>>
          %get3A_423 = tpu.memref_squeeze %get3A_422 : memref<1x400x64xi32, #tpu.memory_space<vmem>> -> memref<400x64xi32, #tpu.memory_space<vmem>>
          %get3A_424 = arith.index_cast %add3A_354 : i32 to index
          %get3A_425 = arith.constant 48 : index
          %get3A_426 = tpu.vector_load %get3A_423[%get3A_424, %get3A_425] {strides = array<i32>} : memref<400x64xi32, #tpu.memory_space<vmem>>, vector<16xi32>,
          %bitcast3A_427 = vector.bitcast %get3A_426 : vector<16xi32> to vector<32xbf16>
          %mul3A_428 = arith.mulf %bitcast3A_403, %bitcast3A_411 : vector<32xbf16>
          %mul3A_429 = arith.mulf %bitcast3A_419, %bitcast3A_427 : vector<32xbf16>
          %add3A_430 = arith.addf %mul3A_428, %mul3A_429 : vector<32xbf16>
          %unpack3A_431 = tpu.unpack_subelements %add3A_430, 0 {pack_format = #tpu.pack_format<interleaved>} : vector<32xbf16> -> vector<16xf32>
          %unpack3A_432 = tpu.unpack_subelements %add3A_430, 1 {pack_format = #tpu.pack_format<interleaved>} : vector<32xbf16> -> vector<16xf32>
          %add3A_433 = arith.addf %add3A_395, %unpack3A_431 : vector<16xf32>
          %add3A_434 = arith.addf %add3A_433, %unpack3A_432 : vector<16xf32>
          %reduce_sum3A_435 = arith.constant true
          %reduce_sum3A_436 = vector.broadcast %reduce_sum3A_435 : i1 to vector<16xi1>
          %reduce_sum3A_437 = tpu.scan <sum>, %add3A_434 masked %reduce_sum3A_436 : vector<16xf32>, vector<16xi1> -> vector<16xf32>
          %reduce_sum3A_438 = vector.extract %reduce_sum3A_437[15] : f32 from vector<16xf32>
          %eq3A_439 = vector.broadcast %scan3A_351 : i32 to vector<16xi32>
          %eq3A_440 = arith.cmpi eq, %iota3A, %eq3A_439 : vector<16xi32>
          %broadcast_in_dim3A_441 = vector.broadcast %reduce_sum3A_438 : f32 to vector<16xf32>
          %select_n3A_442 = arith.select %eq3A_440, %broadcast_in_dim3A_441, %select_n3A : vector<16xi1>, vector<16xf32>
          %scan3A_443 = arith.constant 2 : i32
          %scan3A_444 = arith.addi %scan3A_263, %scan3A_443 : i32
          %mul3A_445 = arith.constant 16 : i32
          %mul3A_446 = arith.muli %scan3A_249, %mul3A_445 : i32
          %add3A_447 = arith.addi %mul3A_446, %scan3A_444 : i32
          %broadcast_in_dim3A_448 = arith.constant 0.000000e+00 : f32
          %broadcast_in_dim3A_449 = vector.broadcast %broadcast_in_dim3A_448 : f32 to vector<16xf32>
          %get3A_450 = arith.constant 0 : i32
          %get3A_451 = arith.constant 0 : i32
          %get3A_452 = tpu.memref_slice %arg8[%scan3A_157, %get3A_450, %get3A_451] : memref<2x400x64xi32, #tpu.memory_space<vmem>> -> memref<1x400x64xi32, #tpu.memory_space<vmem>>
          %get3A_453 = tpu.memref_squeeze %get3A_452 : memref<1x400x64xi32, #tpu.memory_space<vmem>> -> memref<400x64xi32, #tpu.memory_space<vmem>>
          %get3A_454 = arith.index_cast %add3A_447 : i32 to index
          %get3A_455 = arith.constant 0 : index
          %get3A_456 = tpu.vector_load %get3A_453[%get3A_454, %get3A_455] {strides = array<i32>} : memref<400x64xi32, #tpu.memory_space<vmem>>, vector<16xi32>,
          %bitcast3A_457 = vector.bitcast %get3A_456 : vector<16xi32> to vector<32xbf16>
          %get3A_458 = arith.constant 0 : i32
          %get3A_459 = arith.constant 0 : i32
          %get3A_460 = tpu.memref_slice %arg9[%scan3A_158, %get3A_458, %get3A_459] : memref<2x400x64xi32, #tpu.memory_space<vmem>> -> memref<1x400x64xi32, #tpu.memory_space<vmem>>
          %get3A_461 = tpu.memref_squeeze %get3A_460 : memref<1x400x64xi32, #tpu.memory_space<vmem>> -> memref<400x64xi32, #tpu.memory_space<vmem>>
          %get3A_462 = arith.index_cast %add3A_447 : i32 to index
          %get3A_463 = arith.constant 0 : index
          %get3A_464 = tpu.vector_load %get3A_461[%get3A_462, %get3A_463] {strides = array<i32>} : memref<400x64xi32, #tpu.memory_space<vmem>>, vector<16xi32>,
          %bitcast3A_465 = vector.bitcast %get3A_464 : vector<16xi32> to vector<32xbf16>
          %get3A_466 = arith.constant 0 : i32
          %get3A_467 = arith.constant 0 : i32
          %get3A_468 = tpu.memref_slice %arg8[%scan3A_157, %get3A_466, %get3A_467] : memref<2x400x64xi32, #tpu.memory_space<vmem>> -> memref<1x400x64xi32, #tpu.memory_space<vmem>>
          %get3A_469 = tpu.memref_squeeze %get3A_468 : memref<1x400x64xi32, #tpu.memory_space<vmem>> -> memref<400x64xi32, #tpu.memory_space<vmem>>
          %get3A_470 = arith.index_cast %add3A_447 : i32 to index
          %get3A_471 = arith.constant 16 : index
          %get3A_472 = tpu.vector_load %get3A_469[%get3A_470, %get3A_471] {strides = array<i32>} : memref<400x64xi32, #tpu.memory_space<vmem>>, vector<16xi32>,
          %bitcast3A_473 = vector.bitcast %get3A_472 : vector<16xi32> to vector<32xbf16>
          %get3A_474 = arith.constant 0 : i32
          %get3A_475 = arith.constant 0 : i32
          %get3A_476 = tpu.memref_slice %arg9[%scan3A_158, %get3A_474, %get3A_475] : memref<2x400x64xi32, #tpu.memory_space<vmem>> -> memref<1x400x64xi32, #tpu.memory_space<vmem>>
          %get3A_477 = tpu.memref_squeeze %get3A_476 : memref<1x400x64xi32, #tpu.memory_space<vmem>> -> memref<400x64xi32, #tpu.memory_space<vmem>>
          %get3A_478 = arith.index_cast %add3A_447 : i32 to index
          %get3A_479 = arith.constant 16 : index
          %get3A_480 = tpu.vector_load %get3A_477[%get3A_478, %get3A_479] {strides = array<i32>} : memref<400x64xi32, #tpu.memory_space<vmem>>, vector<16xi32>,
          %bitcast3A_481 = vector.bitcast %get3A_480 : vector<16xi32> to vector<32xbf16>
          %mul3A_482 = arith.mulf %bitcast3A_457, %bitcast3A_465 : vector<32xbf16>
          %mul3A_483 = arith.mulf %bitcast3A_473, %bitcast3A_481 : vector<32xbf16>
          %add3A_484 = arith.addf %mul3A_482, %mul3A_483 : vector<32xbf16>
          %unpack3A_485 = tpu.unpack_subelements %add3A_484, 0 {pack_format = #tpu.pack_format<interleaved>} : vector<32xbf16> -> vector<16xf32>
          %unpack3A_486 = tpu.unpack_subelements %add3A_484, 1 {pack_format = #tpu.pack_format<interleaved>} : vector<32xbf16> -> vector<16xf32>
          %add3A_487 = arith.addf %broadcast_in_dim3A_449, %unpack3A_485 : vector<16xf32>
          %add3A_488 = arith.addf %add3A_487, %unpack3A_486 : vector<16xf32>
          %get3A_489 = arith.constant 0 : i32
          %get3A_490 = arith.constant 0 : i32
          %get3A_491 = tpu.memref_slice %arg8[%scan3A_157, %get3A_489, %get3A_490] : memref<2x400x64xi32, #tpu.memory_space<vmem>> -> memref<1x400x64xi32, #tpu.memory_space<vmem>>
          %get3A_492 = tpu.memref_squeeze %get3A_491 : memref<1x400x64xi32, #tpu.memory_space<vmem>> -> memref<400x64xi32, #tpu.memory_space<vmem>>
          %get3A_493 = arith.index_cast %add3A_447 : i32 to index
          %get3A_494 = arith.constant 32 : index
          %get3A_495 = tpu.vector_load %get3A_492[%get3A_493, %get3A_494] {strides = array<i32>} : memref<400x64xi32, #tpu.memory_space<vmem>>, vector<16xi32>,
          %bitcast3A_496 = vector.bitcast %get3A_495 : vector<16xi32> to vector<32xbf16>
          %get3A_497 = arith.constant 0 : i32
          %get3A_498 = arith.constant 0 : i32
          %get3A_499 = tpu.memref_slice %arg9[%scan3A_158, %get3A_497, %get3A_498] : memref<2x400x64xi32, #tpu.memory_space<vmem>> -> memref<1x400x64xi32, #tpu.memory_space<vmem>>
          %get3A_500 = tpu.memref_squeeze %get3A_499 : memref<1x400x64xi32, #tpu.memory_space<vmem>> -> memref<400x64xi32, #tpu.memory_space<vmem>>
          %get3A_501 = arith.index_cast %add3A_447 : i32 to index
          %get3A_502 = arith.constant 32 : index
          %get3A_503 = tpu.vector_load %get3A_500[%get3A_501, %get3A_502] {strides = array<i32>} : memref<400x64xi32, #tpu.memory_space<vmem>>, vector<16xi32>,
          %bitcast3A_504 = vector.bitcast %get3A_503 : vector<16xi32> to vector<32xbf16>
          %get3A_505 = arith.constant 0 : i32
          %get3A_506 = arith.constant 0 : i32
          %get3A_507 = tpu.memref_slice %arg8[%scan3A_157, %get3A_505, %get3A_506] : memref<2x400x64xi32, #tpu.memory_space<vmem>> -> memref<1x400x64xi32, #tpu.memory_space<vmem>>
          %get3A_508 = tpu.memref_squeeze %get3A_507 : memref<1x400x64xi32, #tpu.memory_space<vmem>> -> memref<400x64xi32, #tpu.memory_space<vmem>>
          %get3A_509 = arith.index_cast %add3A_447 : i32 to index
          %get3A_510 = arith.constant 48 : index
          %get3A_511 = tpu.vector_load %get3A_508[%get3A_509, %get3A_510] {strides = array<i32>} : memref<400x64xi32, #tpu.memory_space<vmem>>, vector<16xi32>,
          %bitcast3A_512 = vector.bitcast %get3A_511 : vector<16xi32> to vector<32xbf16>
          %get3A_513 = arith.constant 0 : i32
          %get3A_514 = arith.constant 0 : i32
          %get3A_515 = tpu.memref_slice %arg9[%scan3A_158, %get3A_513, %get3A_514] : memref<2x400x64xi32, #tpu.memory_space<vmem>> -> memref<1x400x64xi32, #tpu.memory_space<vmem>>
          %get3A_516 = tpu.memref_squeeze %get3A_515 : memref<1x400x64xi32, #tpu.memory_space<vmem>> -> memref<400x64xi32, #tpu.memory_space<vmem>>
          %get3A_517 = arith.index_cast %add3A_447 : i32 to index
          %get3A_518 = arith.constant 48 : index
          %get3A_519 = tpu.vector_load %get3A_516[%get3A_517, %get3A_518] {strides = array<i32>} : memref<400x64xi32, #tpu.memory_space<vmem>>, vector<16xi32>,
          %bitcast3A_520 = vector.bitcast %get3A_519 : vector<16xi32> to vector<32xbf16>
          %mul3A_521 = arith.mulf %bitcast3A_496, %bitcast3A_504 : vector<32xbf16>
          %mul3A_522 = arith.mulf %bitcast3A_512, %bitcast3A_520 : vector<32xbf16>
          %add3A_523 = arith.addf %mul3A_521, %mul3A_522 : vector<32xbf16>
          %unpack3A_524 = tpu.unpack_subelements %add3A_523, 0 {pack_format = #tpu.pack_format<interleaved>} : vector<32xbf16> -> vector<16xf32>
          %unpack3A_525 = tpu.unpack_subelements %add3A_523, 1 {pack_format = #tpu.pack_format<interleaved>} : vector<32xbf16> -> vector<16xf32>
          %add3A_526 = arith.addf %add3A_488, %unpack3A_524 : vector<16xf32>
          %add3A_527 = arith.addf %add3A_526, %unpack3A_525 : vector<16xf32>
          %reduce_sum3A_528 = arith.constant true
          %reduce_sum3A_529 = vector.broadcast %reduce_sum3A_528 : i1 to vector<16xi1>
          %reduce_sum3A_530 = tpu.scan <sum>, %add3A_527 masked %reduce_sum3A_529 : vector<16xf32>, vector<16xi1> -> vector<16xf32>
          %reduce_sum3A_531 = vector.extract %reduce_sum3A_530[15] : f32 from vector<16xf32>
          %eq3A_532 = vector.broadcast %scan3A_444 : i32 to vector<16xi32>
          %eq3A_533 = arith.cmpi eq, %iota3A, %eq3A_532 : vector<16xi32>
          %broadcast_in_dim3A_534 = vector.broadcast %reduce_sum3A_531 : f32 to vector<16xf32>
          %select_n3A_535 = arith.select %eq3A_533, %broadcast_in_dim3A_534, %select_n3A_442 : vector<16xi1>, vector<16xf32>
          %scan3A_536 = arith.constant 3 : i32
          %scan3A_537 = arith.addi %scan3A_263, %scan3A_536 : i32
          %mul3A_538 = arith.constant 16 : i32
          %mul3A_539 = arith.muli %scan3A_249, %mul3A_538 : i32
          %add3A_540 = arith.addi %mul3A_539, %scan3A_537 : i32
          %broadcast_in_dim3A_541 = arith.constant 0.000000e+00 : f32
          %broadcast_in_dim3A_542 = vector.broadcast %broadcast_in_dim3A_541 : f32 to vector<16xf32>
          %get3A_543 = arith.constant 0 : i32
          %get3A_544 = arith.constant 0 : i32
          %get3A_545 = tpu.memref_slice %arg8[%scan3A_157, %get3A_543, %get3A_544] : memref<2x400x64xi32, #tpu.memory_space<vmem>> -> memref<1x400x64xi32, #tpu.memory_space<vmem>>
          %get3A_546 = tpu.memref_squeeze %get3A_545 : memref<1x400x64xi32, #tpu.memory_space<vmem>> -> memref<400x64xi32, #tpu.memory_space<vmem>>
          %get3A_547 = arith.index_cast %add3A_540 : i32 to index
          %get3A_548 = arith.constant 0 : index
          %get3A_549 = tpu.vector_load %get3A_546[%get3A_547, %get3A_548] {strides = array<i32>} : memref<400x64xi32, #tpu.memory_space<vmem>>, vector<16xi32>,
          %bitcast3A_550 = vector.bitcast %get3A_549 : vector<16xi32> to vector<32xbf16>
          %get3A_551 = arith.constant 0 : i32
          %get3A_552 = arith.constant 0 : i32
          %get3A_553 = tpu.memref_slice %arg9[%scan3A_158, %get3A_551, %get3A_552] : memref<2x400x64xi32, #tpu.memory_space<vmem>> -> memref<1x400x64xi32, #tpu.memory_space<vmem>>
          %get3A_554 = tpu.memref_squeeze %get3A_553 : memref<1x400x64xi32, #tpu.memory_space<vmem>> -> memref<400x64xi32, #tpu.memory_space<vmem>>
          %get3A_555 = arith.index_cast %add3A_540 : i32 to index
          %get3A_556 = arith.constant 0 : index
          %get3A_557 = tpu.vector_load %get3A_554[%get3A_555, %get3A_556] {strides = array<i32>} : memref<400x64xi32, #tpu.memory_space<vmem>>, vector<16xi32>,
          %bitcast3A_558 = vector.bitcast %get3A_557 : vector<16xi32> to vector<32xbf16>
          %get3A_559 = arith.constant 0 : i32
          %get3A_560 = arith.constant 0 : i32
          %get3A_561 = tpu.memref_slice %arg8[%scan3A_157, %get3A_559, %get3A_560] : memref<2x400x64xi32, #tpu.memory_space<vmem>> -> memref<1x400x64xi32, #tpu.memory_space<vmem>>
          %get3A_562 = tpu.memref_squeeze %get3A_561 : memref<1x400x64xi32, #tpu.memory_space<vmem>> -> memref<400x64xi32, #tpu.memory_space<vmem>>
          %get3A_563 = arith.index_cast %add3A_540 : i32 to index
          %get3A_564 = arith.constant 16 : index
          %get3A_565 = tpu.vector_load %get3A_562[%get3A_563, %get3A_564] {strides = array<i32>} : memref<400x64xi32, #tpu.memory_space<vmem>>, vector<16xi32>,
          %bitcast3A_566 = vector.bitcast %get3A_565 : vector<16xi32> to vector<32xbf16>
          %get3A_567 = arith.constant 0 : i32
          %get3A_568 = arith.constant 0 : i32
          %get3A_569 = tpu.memref_slice %arg9[%scan3A_158, %get3A_567, %get3A_568] : memref<2x400x64xi32, #tpu.memory_space<vmem>> -> memref<1x400x64xi32, #tpu.memory_space<vmem>>
          %get3A_570 = tpu.memref_squeeze %get3A_569 : memref<1x400x64xi32, #tpu.memory_space<vmem>> -> memref<400x64xi32, #tpu.memory_space<vmem>>
          %get3A_571 = arith.index_cast %add3A_540 : i32 to index
          %get3A_572 = arith.constant 16 : index
          %get3A_573 = tpu.vector_load %get3A_570[%get3A_571, %get3A_572] {strides = array<i32>} : memref<400x64xi32, #tpu.memory_space<vmem>>, vector<16xi32>,
          %bitcast3A_574 = vector.bitcast %get3A_573 : vector<16xi32> to vector<32xbf16>
          %mul3A_575 = arith.mulf %bitcast3A_550, %bitcast3A_558 : vector<32xbf16>
          %mul3A_576 = arith.mulf %bitcast3A_566, %bitcast3A_574 : vector<32xbf16>
          %add3A_577 = arith.addf %mul3A_575, %mul3A_576 : vector<32xbf16>
          %unpack3A_578 = tpu.unpack_subelements %add3A_577, 0 {pack_format = #tpu.pack_format<interleaved>} : vector<32xbf16> -> vector<16xf32>
          %unpack3A_579 = tpu.unpack_subelements %add3A_577, 1 {pack_format = #tpu.pack_format<interleaved>} : vector<32xbf16> -> vector<16xf32>
          %add3A_580 = arith.addf %broadcast_in_dim3A_542, %unpack3A_578 : vector<16xf32>
          %add3A_581 = arith.addf %add3A_580, %unpack3A_579 : vector<16xf32>
          %get3A_582 = arith.constant 0 : i32
          %get3A_583 = arith.constant 0 : i32
          %get3A_584 = tpu.memref_slice %arg8[%scan3A_157, %get3A_582, %get3A_583] : memref<2x400x64xi32, #tpu.memory_space<vmem>> -> memref<1x400x64xi32, #tpu.memory_space<vmem>>
          %get3A_585 = tpu.memref_squeeze %get3A_584 : memref<1x400x64xi32, #tpu.memory_space<vmem>> -> memref<400x64xi32, #tpu.memory_space<vmem>>
          %get3A_586 = arith.index_cast %add3A_540 : i32 to index
          %get3A_587 = arith.constant 32 : index
          %get3A_588 = tpu.vector_load %get3A_585[%get3A_586, %get3A_587] {strides = array<i32>} : memref<400x64xi32, #tpu.memory_space<vmem>>, vector<16xi32>,
          %bitcast3A_589 = vector.bitcast %get3A_588 : vector<16xi32> to vector<32xbf16>
          %get3A_590 = arith.constant 0 : i32
          %get3A_591 = arith.constant 0 : i32
          %get3A_592 = tpu.memref_slice %arg9[%scan3A_158, %get3A_590, %get3A_591] : memref<2x400x64xi32, #tpu.memory_space<vmem>> -> memref<1x400x64xi32, #tpu.memory_space<vmem>>
          %get3A_593 = tpu.memref_squeeze %get3A_592 : memref<1x400x64xi32, #tpu.memory_space<vmem>> -> memref<400x64xi32, #tpu.memory_space<vmem>>
          %get3A_594 = arith.index_cast %add3A_540 : i32 to index
          %get3A_595 = arith.constant 32 : index
          %get3A_596 = tpu.vector_load %get3A_593[%get3A_594, %get3A_595] {strides = array<i32>} : memref<400x64xi32, #tpu.memory_space<vmem>>, vector<16xi32>,
          %bitcast3A_597 = vector.bitcast %get3A_596 : vector<16xi32> to vector<32xbf16>
          %get3A_598 = arith.constant 0 : i32
          %get3A_599 = arith.constant 0 : i32
          %get3A_600 = tpu.memref_slice %arg8[%scan3A_157, %get3A_598, %get3A_599] : memref<2x400x64xi32, #tpu.memory_space<vmem>> -> memref<1x400x64xi32, #tpu.memory_space<vmem>>
          %get3A_601 = tpu.memref_squeeze %get3A_600 : memref<1x400x64xi32, #tpu.memory_space<vmem>> -> memref<400x64xi32, #tpu.memory_space<vmem>>
          %get3A_602 = arith.index_cast %add3A_540 : i32 to index
          %get3A_603 = arith.constant 48 : index
          %get3A_604 = tpu.vector_load %get3A_601[%get3A_602, %get3A_603] {strides = array<i32>} : memref<400x64xi32, #tpu.memory_space<vmem>>, vector<16xi32>,
          %bitcast3A_605 = vector.bitcast %get3A_604 : vector<16xi32> to vector<32xbf16>
          %get3A_606 = arith.constant 0 : i32
          %get3A_607 = arith.constant 0 : i32
          %get3A_608 = tpu.memref_slice %arg9[%scan3A_158, %get3A_606, %get3A_607] : memref<2x400x64xi32, #tpu.memory_space<vmem>> -> memref<1x400x64xi32, #tpu.memory_space<vmem>>
          %get3A_609 = tpu.memref_squeeze %get3A_608 : memref<1x400x64xi32, #tpu.memory_space<vmem>> -> memref<400x64xi32, #tpu.memory_space<vmem>>
          %get3A_610 = arith.index_cast %add3A_540 : i32 to index
          %get3A_611 = arith.constant 48 : index
          %get3A_612 = tpu.vector_load %get3A_609[%get3A_610, %get3A_611] {strides = array<i32>} : memref<400x64xi32, #tpu.memory_space<vmem>>, vector<16xi32>,
          %bitcast3A_613 = vector.bitcast %get3A_612 : vector<16xi32> to vector<32xbf16>
          %mul3A_614 = arith.mulf %bitcast3A_589, %bitcast3A_597 : vector<32xbf16>
          %mul3A_615 = arith.mulf %bitcast3A_605, %bitcast3A_613 : vector<32xbf16>
          %add3A_616 = arith.addf %mul3A_614, %mul3A_615 : vector<32xbf16>
          %unpack3A_617 = tpu.unpack_subelements %add3A_616, 0 {pack_format = #tpu.pack_format<interleaved>} : vector<32xbf16> -> vector<16xf32>
          %unpack3A_618 = tpu.unpack_subelements %add3A_616, 1 {pack_format = #tpu.pack_format<interleaved>} : vector<32xbf16> -> vector<16xf32>
          %add3A_619 = arith.addf %add3A_581, %unpack3A_617 : vector<16xf32>
          %add3A_620 = arith.addf %add3A_619, %unpack3A_618 : vector<16xf32>
          %reduce_sum3A_621 = arith.constant true
          %reduce_sum3A_622 = vector.broadcast %reduce_sum3A_621 : i1 to vector<16xi1>
          %reduce_sum3A_623 = tpu.scan <sum>, %add3A_620 masked %reduce_sum3A_622 : vector<16xf32>, vector<16xi1> -> vector<16xf32>
          %reduce_sum3A_624 = vector.extract %reduce_sum3A_623[15] : f32 from vector<16xf32>
          %eq3A_625 = vector.broadcast %scan3A_537 : i32 to vector<16xi32>
          %eq3A_626 = arith.cmpi eq, %iota3A, %eq3A_625 : vector<16xi32>
          %broadcast_in_dim3A_627 = vector.broadcast %reduce_sum3A_624 : f32 to vector<16xf32>
          %select_n3A_628 = arith.select %eq3A_626, %broadcast_in_dim3A_627, %select_n3A_535 : vector<16xi1>, vector<16xf32>
          scf.yield %select_n3A_628 : vector<16xf32>
        }
        %scan3A_256 = arith.constant 16 : i32
        %mul3A_257 = arith.constant 16 : i32
        %mul3A_258 = arith.muli %scan3A_249, %mul3A_257 : i32
        %swap3A = arith.constant 0 : i32
        %swap3A_259 = tpu.memref_slice %arg10[%scan3A_159, %swap3A] : memref<2x400xf32, #tpu.memory_space<vmem>> -> memref<1x400xf32, #tpu.memory_space<vmem>>
        %swap3A_260 = tpu.memref_squeeze %swap3A_259 : memref<1x400xf32, #tpu.memory_space<vmem>> -> memref<400xf32, #tpu.memory_space<vmem>>
        %swap3A_261 = arith.index_cast %mul3A_258 : i32 to index
        %swap3A_262 = tpu.vector_load %swap3A_260[%swap3A_261] {strides = array<i32>} : memref<400xf32, #tpu.memory_space<vmem>>, vector<16xf32>,
        tpu.vector_store %swap3A_260[%swap3A_261], %scan3A_255 {strides = array<i32>} : memref<400xf32, #tpu.memory_space<vmem>>, vector<16xf32>,
      }
      %scan3A_164 = arith.constant 25 : i32
      %mul3A_165 = arith.constant 400 : i32
      %mul3A_166 = arith.muli %mul3A_109, %mul3A_165 : i32
      %add3A_167 = arith.addi %mul3A_2, %mul3A_166 : i32
      %dma_start3A_168 = arith.constant 0 : i32
      %dma_start3A_169 = arith.constant 0 : i32
      %dma_start3A_170 = tpu.memref_slice %arg10[%dma_start3A_168, %dma_start3A_169] : memref<2x400xf32, #tpu.memory_space<vmem>> -> memref<1x400xf32, #tpu.memory_space<vmem>>
      %dma_start3A_171 = tpu.memref_squeeze %dma_start3A_170 : memref<1x400xf32, #tpu.memory_space<vmem>> -> memref<400xf32, #tpu.memory_space<vmem>>
      %dma_start3A_172 = tpu.memref_slice %arg5[%add3A_167] : memref<320000xf32, #tpu.memory_space<hbm>> -> memref<400xf32, #tpu.memory_space<hbm>>
      %dma_start3A_173 = tpu.memref_slice %arg5[%add3A_167] : memref<320000xf32, #tpu.memory_space<hbm>> -> memref<400xf32, #tpu.memory_space<hbm>>
      %dma_start3A_174 = arith.constant 0 : i32
      %dma_start3A_175 = tpu.memref_slice %arg10[%dma_start3A_168, %dma_start3A_174] : memref<2x400xf32, #tpu.memory_space<vmem>> -> memref<1x400xf32, #tpu.memory_space<vmem>>
      %dma_start3A_176 = tpu.memref_squeeze %dma_start3A_175 : memref<1x400xf32, #tpu.memory_space<vmem>> -> memref<400xf32, #tpu.memory_space<vmem>>
      tpu.enqueue_dma source(%dma_start3A_176 : memref<400xf32, #tpu.memory_space<vmem>>) target(%dma_start3A_173 : memref<400xf32, #tpu.memory_space<hbm>>) target_semaphore(%arg17 : memref<!tpu.dma_semaphore, #tpu.memory_space<semaphore_mem>>)
      %add3A_177 = arith.constant 2 : i32
      %add3A_178 = arith.addi %mul3A_109, %add3A_177 : i32
      %mul3A_179 = arith.constant 400 : i32
      %mul3A_180 = arith.muli %add3A_178, %mul3A_179 : i32
      %dma_start3A_181 = arith.constant 0 : i32
      %dma_start3A_182 = arith.constant 0 : i32
      %dma_start3A_183 = arith.constant 0 : i32
      %dma_start3A_184 = tpu.memref_slice %arg8[%dma_start3A_181, %dma_start3A_182, %dma_start3A_183] : memref<2x400x64xi32, #tpu.memory_space<vmem>> -> memref<1x400x64xi32, #tpu.memory_space<vmem>>
      %dma_start3A_185 = tpu.memref_squeeze %dma_start3A_184 : memref<1x400x64xi32, #tpu.memory_space<vmem>> -> memref<400x64xi32, #tpu.memory_space<vmem>>
      %dma_start3A_186 = tpu.memref_slice %arg6[%mul3A_180] : memref<10000xi32, #tpu.memory_space<vmem>> -> memref<400xi32, #tpu.memory_space<vmem>>
      %dma_start3A_187 = arith.constant 0 : i32
      %dma_start3A_188 = arith.constant 0 : i32
      %dma_start3A_189 = tpu.memref_slice %arg2[%dma_start3A_187, %dma_start3A_188] : memref<10000x64xi32, #tpu.memory_space<hbm>> -> memref<10000x64xi32, #tpu.memory_space<hbm>>
      tpu.enqueue_indirect_dma source(%dma_start3A_189 : memref<10000x64xi32, #tpu.memory_space<hbm>>) target(%dma_start3A_185 : memref<400x64xi32, #tpu.memory_space<vmem>>) offsets(%dma_start3A_186 : memref<400xi32, #tpu.memory_space<vmem>>) semaphore(%arg13 : memref<!tpu.dma_semaphore, #tpu.memory_space<semaphore_mem>>)
      %mul3A_190 = arith.constant 400 : i32
      %mul3A_191 = arith.muli %add3A_178, %mul3A_190 : i32
      %dma_start3A_192 = arith.constant 0 : i32
      %dma_start3A_193 = arith.constant 0 : i32
      %dma_start3A_194 = arith.constant 0 : i32
      %dma_start3A_195 = tpu.memref_slice %arg9[%dma_start3A_192, %dma_start3A_193, %dma_start3A_194] : memref<2x400x64xi32, #tpu.memory_space<vmem>> -> memref<1x400x64xi32, #tpu.memory_space<vmem>>
      %dma_start3A_196 = tpu.memref_squeeze %dma_start3A_195 : memref<1x400x64xi32, #tpu.memory_space<vmem>> -> memref<400x64xi32, #tpu.memory_space<vmem>>
      %dma_start3A_197 = tpu.memref_slice %arg7[%mul3A_191] : memref<10000xi32, #tpu.memory_space<vmem>> -> memref<400xi32, #tpu.memory_space<vmem>>
      %dma_start3A_198 = arith.constant 0 : i32
      %dma_start3A_199 = arith.constant 0 : i32
      %dma_start3A_200 = tpu.memref_slice %arg2[%dma_start3A_198, %dma_start3A_199] : memref<10000x64xi32, #tpu.memory_space<hbm>> -> memref<10000x64xi32, #tpu.memory_space<hbm>>
      tpu.enqueue_indirect_dma source(%dma_start3A_200 : memref<10000x64xi32, #tpu.memory_space<hbm>>) target(%dma_start3A_196 : memref<400x64xi32, #tpu.memory_space<vmem>>) offsets(%dma_start3A_197 : memref<400xi32, #tpu.memory_space<vmem>>) semaphore(%arg14 : memref<!tpu.dma_semaphore, #tpu.memory_space<semaphore_mem>>)
      %dma_wait3A_201 = arith.constant 1 : i32
      %dma_wait3A_202 = arith.constant 0 : i32
      %dma_wait3A_203 = arith.constant 0 : i32
      %dma_wait3A_204 = tpu.memref_slice %arg8[%dma_wait3A_201, %dma_wait3A_202, %dma_wait3A_203] : memref<2x400x64xi32, #tpu.memory_space<vmem>> -> memref<1x400x64xi32, #tpu.memory_space<vmem>>
      %dma_wait3A_205 = tpu.memref_squeeze %dma_wait3A_204 : memref<1x400x64xi32, #tpu.memory_space<vmem>> -> memref<400x64xi32, #tpu.memory_space<vmem>>
      %dma_wait3A_206 = arith.constant 0 : i32
      %dma_wait3A_207 = tpu.memref_slice %arg6[%dma_wait3A_206] : memref<10000xi32, #tpu.memory_space<vmem>> -> memref<400xi32, #tpu.memory_space<vmem>>
      %dma_wait3A_208 = arith.constant 0 : i32
      %dma_wait3A_209 = arith.constant 0 : i32
      %dma_wait3A_210 = tpu.memref_slice %arg2[%dma_wait3A_208, %dma_wait3A_209] : memref<10000x64xi32, #tpu.memory_space<hbm>> -> memref<10000x64xi32, #tpu.memory_space<hbm>>
      tpu.wait_indirect_dma semaphore(%arg15 : memref<!tpu.dma_semaphore, #tpu.memory_space<semaphore_mem>>) src(%dma_wait3A_210 : memref<10000x64xi32, #tpu.memory_space<hbm>>) dst(%dma_wait3A_205 : memref<400x64xi32, #tpu.memory_space<vmem>>)
      %dma_wait3A_211 = arith.constant 1 : i32
      %dma_wait3A_212 = arith.constant 0 : i32
      %dma_wait3A_213 = arith.constant 0 : i32
      %dma_wait3A_214 = tpu.memref_slice %arg9[%dma_wait3A_211, %dma_wait3A_212, %dma_wait3A_213] : memref<2x400x64xi32, #tpu.memory_space<vmem>> -> memref<1x400x64xi32, #tpu.memory_space<vmem>>
      %dma_wait3A_215 = tpu.memref_squeeze %dma_wait3A_214 : memref<1x400x64xi32, #tpu.memory_space<vmem>> -> memref<400x64xi32, #tpu.memory_space<vmem>>
      %dma_wait3A_216 = arith.constant 0 : i32
      %dma_wait3A_217 = tpu.memref_slice %arg7[%dma_wait3A_216] : memref<10000xi32, #tpu.memory_space<vmem>> -> memref<400xi32, #tpu.memory_space<vmem>>
      %dma_wait3A_218 = arith.constant 0 : i32
      %dma_wait3A_219 = arith.constant 0 : i32
      %dma_wait3A_220 = tpu.memref_slice %arg2[%dma_wait3A_218, %dma_wait3A_219] : memref<10000x64xi32, #tpu.memory_space<hbm>> -> memref<10000x64xi32, #tpu.memory_space<hbm>>
      tpu.wait_indirect_dma semaphore(%arg16 : memref<!tpu.dma_semaphore, #tpu.memory_space<semaphore_mem>>) src(%dma_wait3A_220 : memref<10000x64xi32, #tpu.memory_space<hbm>>) dst(%dma_wait3A_215 : memref<400x64xi32, #tpu.memory_space<vmem>>)
      %gt3A_221 = arith.constant 0 : i32
      %gt3A_222 = arith.cmpi sgt, %scan3A_107, %gt3A_221 : i32
      %convert_element_type3A_223 = arith.extui %gt3A_222 : i1 to i32
      %cond3A_224 = arith.constant 0 : i32
      %cond3A_225 = arith.cmpi ne, %convert_element_type3A_223, %cond3A_224 : i32
      scf.if %cond3A_225 {
        %dma_wait3A_249 = arith.constant 1 : i32
        %dma_wait3A_250 = arith.constant 0 : i32
        %dma_wait3A_251 = tpu.memref_slice %arg10[%dma_wait3A_249, %dma_wait3A_250] : memref<2x400xf32, #tpu.memory_space<vmem>> -> memref<1x400xf32, #tpu.memory_space<vmem>>
        %dma_wait3A_252 = tpu.memref_squeeze %dma_wait3A_251 : memref<1x400xf32, #tpu.memory_space<vmem>> -> memref<400xf32, #tpu.memory_space<vmem>>
        %dma_wait3A_253 = arith.constant 0 : i32
        %dma_wait3A_254 = tpu.memref_slice %arg5[%dma_wait3A_253] : memref<320000xf32, #tpu.memory_space<hbm>> -> memref<400xf32, #tpu.memory_space<hbm>>
        %dma_wait3A_255 = arith.constant 0 : i32
        %dma_wait3A_256 = tpu.memref_slice %arg5[%dma_wait3A_255] : memref<320000xf32, #tpu.memory_space<hbm>> -> memref<400xf32, #tpu.memory_space<hbm>>
        %dma_wait3A_257 = arith.constant 0 : i32
        %dma_wait3A_258 = tpu.memref_slice %arg10[%dma_wait3A_249, %dma_wait3A_257] : memref<2x400xf32, #tpu.memory_space<vmem>> -> memref<1x400xf32, #tpu.memory_space<vmem>>
        %dma_wait3A_259 = tpu.memref_squeeze %dma_wait3A_258 : memref<1x400xf32, #tpu.memory_space<vmem>> -> memref<400xf32, #tpu.memory_space<vmem>>
        tpu.wait_dma2 semaphore(%arg18 : memref<!tpu.dma_semaphore, #tpu.memory_space<semaphore_mem>>) src(%dma_wait3A_259 : memref<400xf32, #tpu.memory_space<vmem>>) dst(%dma_wait3A_256 : memref<400xf32, #tpu.memory_space<hbm>>)
      } else {
      }
      %scan3A_226 = arith.constant 0 : i32
      %scan3A_227 = arith.constant 1 : i32
      %scan3A_228 = arith.constant 1 : i32
      %scan3A_229 = arith.constant 1 : i32
      %scan3A_230 = arith.constant 0 : i32
      %scan3A_231 = arith.constant 25 : i32
      %scan3A_232 = arith.addi %scan3A_230, %scan3A_231 : i32
      %scan3A_233 = arith.constant 1 : i32
      scf.for %scan3A_249 = %scan3A_230 to %scan3A_232 step %scan3A_233  : i32 {
        %broadcast_in_dim3A = arith.constant 0.000000e+00 : f32
        %broadcast_in_dim3A_250 = vector.broadcast %broadcast_in_dim3A : f32 to vector<16xf32>
        %scan3A_251 = arith.constant 0 : i32
        %scan3A_252 = arith.constant 16 : i32
        %scan3A_253 = arith.addi %scan3A_251, %scan3A_252 : i32
        %scan3A_254 = arith.constant 4 : i32
        %scan3A_255 = scf.for %scan3A_263 = %scan3A_251 to %scan3A_253 step %scan3A_254 iter_args(%scan3A_264 = %broadcast_in_dim3A_250) -> (vector<16xf32>)  : i32 {
          %mul3A_265 = arith.constant 16 : i32
          %mul3A_266 = arith.muli %scan3A_249, %mul3A_265 : i32
          %add3A_267 = arith.addi %mul3A_266, %scan3A_263 : i32
          %broadcast_in_dim3A_268 = arith.constant 0.000000e+00 : f32
          %broadcast_in_dim3A_269 = vector.broadcast %broadcast_in_dim3A_268 : f32 to vector<16xf32>
          %get3A = arith.constant 0 : i32
          %get3A_270 = arith.constant 0 : i32
          %get3A_271 = tpu.memref_slice %arg8[%scan3A_227, %get3A, %get3A_270] : memref<2x400x64xi32, #tpu.memory_space<vmem>> -> memref<1x400x64xi32, #tpu.memory_space<vmem>>
          %get3A_272 = tpu.memref_squeeze %get3A_271 : memref<1x400x64xi32, #tpu.memory_space<vmem>> -> memref<400x64xi32, #tpu.memory_space<vmem>>
          %get3A_273 = arith.index_cast %add3A_267 : i32 to index
          %get3A_274 = arith.constant 0 : index
          %get3A_275 = tpu.vector_load %get3A_272[%get3A_273, %get3A_274] {strides = array<i32>} : memref<400x64xi32, #tpu.memory_space<vmem>>, vector<16xi32>,
          %bitcast3A = vector.bitcast %get3A_275 : vector<16xi32> to vector<32xbf16>
          %get3A_276 = arith.constant 0 : i32
          %get3A_277 = arith.constant 0 : i32
          %get3A_278 = tpu.memref_slice %arg9[%scan3A_228, %get3A_276, %get3A_277] : memref<2x400x64xi32, #tpu.memory_space<vmem>> -> memref<1x400x64xi32, #tpu.memory_space<vmem>>
          %get3A_279 = tpu.memref_squeeze %get3A_278 : memref<1x400x64xi32, #tpu.memory_space<vmem>> -> memref<400x64xi32, #tpu.memory_space<vmem>>
          %get3A_280 = arith.index_cast %add3A_267 : i32 to index
          %get3A_281 = arith.constant 0 : index
          %get3A_282 = tpu.vector_load %get3A_279[%get3A_280, %get3A_281] {strides = array<i32>} : memref<400x64xi32, #tpu.memory_space<vmem>>, vector<16xi32>,
          %bitcast3A_283 = vector.bitcast %get3A_282 : vector<16xi32> to vector<32xbf16>
          %get3A_284 = arith.constant 0 : i32
          %get3A_285 = arith.constant 0 : i32
          %get3A_286 = tpu.memref_slice %arg8[%scan3A_227, %get3A_284, %get3A_285] : memref<2x400x64xi32, #tpu.memory_space<vmem>> -> memref<1x400x64xi32, #tpu.memory_space<vmem>>
          %get3A_287 = tpu.memref_squeeze %get3A_286 : memref<1x400x64xi32, #tpu.memory_space<vmem>> -> memref<400x64xi32, #tpu.memory_space<vmem>>
          %get3A_288 = arith.index_cast %add3A_267 : i32 to index
          %get3A_289 = arith.constant 16 : index
          %get3A_290 = tpu.vector_load %get3A_287[%get3A_288, %get3A_289] {strides = array<i32>} : memref<400x64xi32, #tpu.memory_space<vmem>>, vector<16xi32>,
          %bitcast3A_291 = vector.bitcast %get3A_290 : vector<16xi32> to vector<32xbf16>
          %get3A_292 = arith.constant 0 : i32
          %get3A_293 = arith.constant 0 : i32
          %get3A_294 = tpu.memref_slice %arg9[%scan3A_228, %get3A_292, %get3A_293] : memref<2x400x64xi32, #tpu.memory_space<vmem>> -> memref<1x400x64xi32, #tpu.memory_space<vmem>>
          %get3A_295 = tpu.memref_squeeze %get3A_294 : memref<1x400x64xi32, #tpu.memory_space<vmem>> -> memref<400x64xi32, #tpu.memory_space<vmem>>
          %get3A_296 = arith.index_cast %add3A_267 : i32 to index
          %get3A_297 = arith.constant 16 : index
          %get3A_298 = tpu.vector_load %get3A_295[%get3A_296, %get3A_297] {strides = array<i32>} : memref<400x64xi32, #tpu.memory_space<vmem>>, vector<16xi32>,
          %bitcast3A_299 = vector.bitcast %get3A_298 : vector<16xi32> to vector<32xbf16>
          %mul3A_300 = arith.mulf %bitcast3A, %bitcast3A_283 : vector<32xbf16>
          %mul3A_301 = arith.mulf %bitcast3A_291, %bitcast3A_299 : vector<32xbf16>
          %add3A_302 = arith.addf %mul3A_300, %mul3A_301 : vector<32xbf16>
          %unpack3A = tpu.unpack_subelements %add3A_302, 0 {pack_format = #tpu.pack_format<interleaved>} : vector<32xbf16> -> vector<16xf32>
          %unpack3A_303 = tpu.unpack_subelements %add3A_302, 1 {pack_format = #tpu.pack_format<interleaved>} : vector<32xbf16> -> vector<16xf32>
          %add3A_304 = arith.addf %broadcast_in_dim3A_269, %unpack3A : vector<16xf32>
          %add3A_305 = arith.addf %add3A_304, %unpack3A_303 : vector<16xf32>
          %get3A_306 = arith.constant 0 : i32
          %get3A_307 = arith.constant 0 : i32
          %get3A_308 = tpu.memref_slice %arg8[%scan3A_227, %get3A_306, %get3A_307] : memref<2x400x64xi32, #tpu.memory_space<vmem>> -> memref<1x400x64xi32, #tpu.memory_space<vmem>>
          %get3A_309 = tpu.memref_squeeze %get3A_308 : memref<1x400x64xi32, #tpu.memory_space<vmem>> -> memref<400x64xi32, #tpu.memory_space<vmem>>
          %get3A_310 = arith.index_cast %add3A_267 : i32 to index
          %get3A_311 = arith.constant 32 : index
          %get3A_312 = tpu.vector_load %get3A_309[%get3A_310, %get3A_311] {strides = array<i32>} : memref<400x64xi32, #tpu.memory_space<vmem>>, vector<16xi32>,
          %bitcast3A_313 = vector.bitcast %get3A_312 : vector<16xi32> to vector<32xbf16>
          %get3A_314 = arith.constant 0 : i32
          %get3A_315 = arith.constant 0 : i32
          %get3A_316 = tpu.memref_slice %arg9[%scan3A_228, %get3A_314, %get3A_315] : memref<2x400x64xi32, #tpu.memory_space<vmem>> -> memref<1x400x64xi32, #tpu.memory_space<vmem>>
          %get3A_317 = tpu.memref_squeeze %get3A_316 : memref<1x400x64xi32, #tpu.memory_space<vmem>> -> memref<400x64xi32, #tpu.memory_space<vmem>>
          %get3A_318 = arith.index_cast %add3A_267 : i32 to index
          %get3A_319 = arith.constant 32 : index
          %get3A_320 = tpu.vector_load %get3A_317[%get3A_318, %get3A_319] {strides = array<i32>} : memref<400x64xi32, #tpu.memory_space<vmem>>, vector<16xi32>,
          %bitcast3A_321 = vector.bitcast %get3A_320 : vector<16xi32> to vector<32xbf16>
          %get3A_322 = arith.constant 0 : i32
          %get3A_323 = arith.constant 0 : i32
          %get3A_324 = tpu.memref_slice %arg8[%scan3A_227, %get3A_322, %get3A_323] : memref<2x400x64xi32, #tpu.memory_space<vmem>> -> memref<1x400x64xi32, #tpu.memory_space<vmem>>
          %get3A_325 = tpu.memref_squeeze %get3A_324 : memref<1x400x64xi32, #tpu.memory_space<vmem>> -> memref<400x64xi32, #tpu.memory_space<vmem>>
          %get3A_326 = arith.index_cast %add3A_267 : i32 to index
          %get3A_327 = arith.constant 48 : index
          %get3A_328 = tpu.vector_load %get3A_325[%get3A_326, %get3A_327] {strides = array<i32>} : memref<400x64xi32, #tpu.memory_space<vmem>>, vector<16xi32>,
          %bitcast3A_329 = vector.bitcast %get3A_328 : vector<16xi32> to vector<32xbf16>
          %get3A_330 = arith.constant 0 : i32
          %get3A_331 = arith.constant 0 : i32
          %get3A_332 = tpu.memref_slice %arg9[%scan3A_228, %get3A_330, %get3A_331] : memref<2x400x64xi32, #tpu.memory_space<vmem>> -> memref<1x400x64xi32, #tpu.memory_space<vmem>>
          %get3A_333 = tpu.memref_squeeze %get3A_332 : memref<1x400x64xi32, #tpu.memory_space<vmem>> -> memref<400x64xi32, #tpu.memory_space<vmem>>
          %get3A_334 = arith.index_cast %add3A_267 : i32 to index
          %get3A_335 = arith.constant 48 : index
          %get3A_336 = tpu.vector_load %get3A_333[%get3A_334, %get3A_335] {strides = array<i32>} : memref<400x64xi32, #tpu.memory_space<vmem>>, vector<16xi32>,
          %bitcast3A_337 = vector.bitcast %get3A_336 : vector<16xi32> to vector<32xbf16>
          %mul3A_338 = arith.mulf %bitcast3A_313, %bitcast3A_321 : vector<32xbf16>
          %mul3A_339 = arith.mulf %bitcast3A_329, %bitcast3A_337 : vector<32xbf16>
          %add3A_340 = arith.addf %mul3A_338, %mul3A_339 : vector<32xbf16>
          %unpack3A_341 = tpu.unpack_subelements %add3A_340, 0 {pack_format = #tpu.pack_format<interleaved>} : vector<32xbf16> -> vector<16xf32>
          %unpack3A_342 = tpu.unpack_subelements %add3A_340, 1 {pack_format = #tpu.pack_format<interleaved>} : vector<32xbf16> -> vector<16xf32>
          %add3A_343 = arith.addf %add3A_305, %unpack3A_341 : vector<16xf32>
          %add3A_344 = arith.addf %add3A_343, %unpack3A_342 : vector<16xf32>
          %reduce_sum3A = arith.constant true
          %reduce_sum3A_345 = vector.broadcast %reduce_sum3A : i1 to vector<16xi1>
          %reduce_sum3A_346 = tpu.scan <sum>, %add3A_344 masked %reduce_sum3A_345 : vector<16xf32>, vector<16xi1> -> vector<16xf32>
          %reduce_sum3A_347 = vector.extract %reduce_sum3A_346[15] : f32 from vector<16xf32>
          %eq3A = vector.broadcast %scan3A_263 : i32 to vector<16xi32>
          %eq3A_348 = arith.cmpi eq, %iota3A, %eq3A : vector<16xi32>
          %broadcast_in_dim3A_349 = vector.broadcast %reduce_sum3A_347 : f32 to vector<16xf32>
          %select_n3A = arith.select %eq3A_348, %broadcast_in_dim3A_349, %scan3A_264 : vector<16xi1>, vector<16xf32>
          %scan3A_350 = arith.constant 1 : i32
          %scan3A_351 = arith.addi %scan3A_263, %scan3A_350 : i32
          %mul3A_352 = arith.constant 16 : i32
          %mul3A_353 = arith.muli %scan3A_249, %mul3A_352 : i32
          %add3A_354 = arith.addi %mul3A_353, %scan3A_351 : i32
          %broadcast_in_dim3A_355 = arith.constant 0.000000e+00 : f32
          %broadcast_in_dim3A_356 = vector.broadcast %broadcast_in_dim3A_355 : f32 to vector<16xf32>
          %get3A_357 = arith.constant 0 : i32
          %get3A_358 = arith.constant 0 : i32
          %get3A_359 = tpu.memref_slice %arg8[%scan3A_227, %get3A_357, %get3A_358] : memref<2x400x64xi32, #tpu.memory_space<vmem>> -> memref<1x400x64xi32, #tpu.memory_space<vmem>>
          %get3A_360 = tpu.memref_squeeze %get3A_359 : memref<1x400x64xi32, #tpu.memory_space<vmem>> -> memref<400x64xi32, #tpu.memory_space<vmem>>
          %get3A_361 = arith.index_cast %add3A_354 : i32 to index
          %get3A_362 = arith.constant 0 : index
          %get3A_363 = tpu.vector_load %get3A_360[%get3A_361, %get3A_362] {strides = array<i32>} : memref<400x64xi32, #tpu.memory_space<vmem>>, vector<16xi32>,
          %bitcast3A_364 = vector.bitcast %get3A_363 : vector<16xi32> to vector<32xbf16>
          %get3A_365 = arith.constant 0 : i32
          %get3A_366 = arith.constant 0 : i32
          %get3A_367 = tpu.memref_slice %arg9[%scan3A_228, %get3A_365, %get3A_366] : memref<2x400x64xi32, #tpu.memory_space<vmem>> -> memref<1x400x64xi32, #tpu.memory_space<vmem>>
          %get3A_368 = tpu.memref_squeeze %get3A_367 : memref<1x400x64xi32, #tpu.memory_space<vmem>> -> memref<400x64xi32, #tpu.memory_space<vmem>>
          %get3A_369 = arith.index_cast %add3A_354 : i32 to index
          %get3A_370 = arith.constant 0 : index
          %get3A_371 = tpu.vector_load %get3A_368[%get3A_369, %get3A_370] {strides = array<i32>} : memref<400x64xi32, #tpu.memory_space<vmem>>, vector<16xi32>,
          %bitcast3A_372 = vector.bitcast %get3A_371 : vector<16xi32> to vector<32xbf16>
          %get3A_373 = arith.constant 0 : i32
          %get3A_374 = arith.constant 0 : i32
          %get3A_375 = tpu.memref_slice %arg8[%scan3A_227, %get3A_373, %get3A_374] : memref<2x400x64xi32, #tpu.memory_space<vmem>> -> memref<1x400x64xi32, #tpu.memory_space<vmem>>
          %get3A_376 = tpu.memref_squeeze %get3A_375 : memref<1x400x64xi32, #tpu.memory_space<vmem>> -> memref<400x64xi32, #tpu.memory_space<vmem>>
          %get3A_377 = arith.index_cast %add3A_354 : i32 to index
          %get3A_378 = arith.constant 16 : index
          %get3A_379 = tpu.vector_load %get3A_376[%get3A_377, %get3A_378] {strides = array<i32>} : memref<400x64xi32, #tpu.memory_space<vmem>>, vector<16xi32>,
          %bitcast3A_380 = vector.bitcast %get3A_379 : vector<16xi32> to vector<32xbf16>
          %get3A_381 = arith.constant 0 : i32
          %get3A_382 = arith.constant 0 : i32
          %get3A_383 = tpu.memref_slice %arg9[%scan3A_228, %get3A_381, %get3A_382] : memref<2x400x64xi32, #tpu.memory_space<vmem>> -> memref<1x400x64xi32, #tpu.memory_space<vmem>>
          %get3A_384 = tpu.memref_squeeze %get3A_383 : memref<1x400x64xi32, #tpu.memory_space<vmem>> -> memref<400x64xi32, #tpu.memory_space<vmem>>
          %get3A_385 = arith.index_cast %add3A_354 : i32 to index
          %get3A_386 = arith.constant 16 : index
          %get3A_387 = tpu.vector_load %get3A_384[%get3A_385, %get3A_386] {strides = array<i32>} : memref<400x64xi32, #tpu.memory_space<vmem>>, vector<16xi32>,
          %bitcast3A_388 = vector.bitcast %get3A_387 : vector<16xi32> to vector<32xbf16>
          %mul3A_389 = arith.mulf %bitcast3A_364, %bitcast3A_372 : vector<32xbf16>
          %mul3A_390 = arith.mulf %bitcast3A_380, %bitcast3A_388 : vector<32xbf16>
          %add3A_391 = arith.addf %mul3A_389, %mul3A_390 : vector<32xbf16>
          %unpack3A_392 = tpu.unpack_subelements %add3A_391, 0 {pack_format = #tpu.pack_format<interleaved>} : vector<32xbf16> -> vector<16xf32>
          %unpack3A_393 = tpu.unpack_subelements %add3A_391, 1 {pack_format = #tpu.pack_format<interleaved>} : vector<32xbf16> -> vector<16xf32>
          %add3A_394 = arith.addf %broadcast_in_dim3A_356, %unpack3A_392 : vector<16xf32>
          %add3A_395 = arith.addf %add3A_394, %unpack3A_393 : vector<16xf32>
          %get3A_396 = arith.constant 0 : i32
          %get3A_397 = arith.constant 0 : i32
          %get3A_398 = tpu.memref_slice %arg8[%scan3A_227, %get3A_396, %get3A_397] : memref<2x400x64xi32, #tpu.memory_space<vmem>> -> memref<1x400x64xi32, #tpu.memory_space<vmem>>
          %get3A_399 = tpu.memref_squeeze %get3A_398 : memref<1x400x64xi32, #tpu.memory_space<vmem>> -> memref<400x64xi32, #tpu.memory_space<vmem>>
          %get3A_400 = arith.index_cast %add3A_354 : i32 to index
          %get3A_401 = arith.constant 32 : index
          %get3A_402 = tpu.vector_load %get3A_399[%get3A_400, %get3A_401] {strides = array<i32>} : memref<400x64xi32, #tpu.memory_space<vmem>>, vector<16xi32>,
          %bitcast3A_403 = vector.bitcast %get3A_402 : vector<16xi32> to vector<32xbf16>
          %get3A_404 = arith.constant 0 : i32
          %get3A_405 = arith.constant 0 : i32
          %get3A_406 = tpu.memref_slice %arg9[%scan3A_228, %get3A_404, %get3A_405] : memref<2x400x64xi32, #tpu.memory_space<vmem>> -> memref<1x400x64xi32, #tpu.memory_space<vmem>>
          %get3A_407 = tpu.memref_squeeze %get3A_406 : memref<1x400x64xi32, #tpu.memory_space<vmem>> -> memref<400x64xi32, #tpu.memory_space<vmem>>
          %get3A_408 = arith.index_cast %add3A_354 : i32 to index
          %get3A_409 = arith.constant 32 : index
          %get3A_410 = tpu.vector_load %get3A_407[%get3A_408, %get3A_409] {strides = array<i32>} : memref<400x64xi32, #tpu.memory_space<vmem>>, vector<16xi32>,
          %bitcast3A_411 = vector.bitcast %get3A_410 : vector<16xi32> to vector<32xbf16>
          %get3A_412 = arith.constant 0 : i32
          %get3A_413 = arith.constant 0 : i32
          %get3A_414 = tpu.memref_slice %arg8[%scan3A_227, %get3A_412, %get3A_413] : memref<2x400x64xi32, #tpu.memory_space<vmem>> -> memref<1x400x64xi32, #tpu.memory_space<vmem>>
          %get3A_415 = tpu.memref_squeeze %get3A_414 : memref<1x400x64xi32, #tpu.memory_space<vmem>> -> memref<400x64xi32, #tpu.memory_space<vmem>>
          %get3A_416 = arith.index_cast %add3A_354 : i32 to index
          %get3A_417 = arith.constant 48 : index
          %get3A_418 = tpu.vector_load %get3A_415[%get3A_416, %get3A_417] {strides = array<i32>} : memref<400x64xi32, #tpu.memory_space<vmem>>, vector<16xi32>,
          %bitcast3A_419 = vector.bitcast %get3A_418 : vector<16xi32> to vector<32xbf16>
          %get3A_420 = arith.constant 0 : i32
          %get3A_421 = arith.constant 0 : i32
          %get3A_422 = tpu.memref_slice %arg9[%scan3A_228, %get3A_420, %get3A_421] : memref<2x400x64xi32, #tpu.memory_space<vmem>> -> memref<1x400x64xi32, #tpu.memory_space<vmem>>
          %get3A_423 = tpu.memref_squeeze %get3A_422 : memref<1x400x64xi32, #tpu.memory_space<vmem>> -> memref<400x64xi32, #tpu.memory_space<vmem>>
          %get3A_424 = arith.index_cast %add3A_354 : i32 to index
          %get3A_425 = arith.constant 48 : index
          %get3A_426 = tpu.vector_load %get3A_423[%get3A_424, %get3A_425] {strides = array<i32>} : memref<400x64xi32, #tpu.memory_space<vmem>>, vector<16xi32>,
          %bitcast3A_427 = vector.bitcast %get3A_426 : vector<16xi32> to vector<32xbf16>
          %mul3A_428 = arith.mulf %bitcast3A_403, %bitcast3A_411 : vector<32xbf16>
          %mul3A_429 = arith.mulf %bitcast3A_419, %bitcast3A_427 : vector<32xbf16>
          %add3A_430 = arith.addf %mul3A_428, %mul3A_429 : vector<32xbf16>
          %unpack3A_431 = tpu.unpack_subelements %add3A_430, 0 {pack_format = #tpu.pack_format<interleaved>} : vector<32xbf16> -> vector<16xf32>
          %unpack3A_432 = tpu.unpack_subelements %add3A_430, 1 {pack_format = #tpu.pack_format<interleaved>} : vector<32xbf16> -> vector<16xf32>
          %add3A_433 = arith.addf %add3A_395, %unpack3A_431 : vector<16xf32>
          %add3A_434 = arith.addf %add3A_433, %unpack3A_432 : vector<16xf32>
          %reduce_sum3A_435 = arith.constant true
          %reduce_sum3A_436 = vector.broadcast %reduce_sum3A_435 : i1 to vector<16xi1>
          %reduce_sum3A_437 = tpu.scan <sum>, %add3A_434 masked %reduce_sum3A_436 : vector<16xf32>, vector<16xi1> -> vector<16xf32>
          %reduce_sum3A_438 = vector.extract %reduce_sum3A_437[15] : f32 from vector<16xf32>
          %eq3A_439 = vector.broadcast %scan3A_351 : i32 to vector<16xi32>
          %eq3A_440 = arith.cmpi eq, %iota3A, %eq3A_439 : vector<16xi32>
          %broadcast_in_dim3A_441 = vector.broadcast %reduce_sum3A_438 : f32 to vector<16xf32>
          %select_n3A_442 = arith.select %eq3A_440, %broadcast_in_dim3A_441, %select_n3A : vector<16xi1>, vector<16xf32>
          %scan3A_443 = arith.constant 2 : i32
          %scan3A_444 = arith.addi %scan3A_263, %scan3A_443 : i32
          %mul3A_445 = arith.constant 16 : i32
          %mul3A_446 = arith.muli %scan3A_249, %mul3A_445 : i32
          %add3A_447 = arith.addi %mul3A_446, %scan3A_444 : i32
          %broadcast_in_dim3A_448 = arith.constant 0.000000e+00 : f32
          %broadcast_in_dim3A_449 = vector.broadcast %broadcast_in_dim3A_448 : f32 to vector<16xf32>
          %get3A_450 = arith.constant 0 : i32
          %get3A_451 = arith.constant 0 : i32
          %get3A_452 = tpu.memref_slice %arg8[%scan3A_227, %get3A_450, %get3A_451] : memref<2x400x64xi32, #tpu.memory_space<vmem>> -> memref<1x400x64xi32, #tpu.memory_space<vmem>>
          %get3A_453 = tpu.memref_squeeze %get3A_452 : memref<1x400x64xi32, #tpu.memory_space<vmem>> -> memref<400x64xi32, #tpu.memory_space<vmem>>
          %get3A_454 = arith.index_cast %add3A_447 : i32 to index
          %get3A_455 = arith.constant 0 : index
          %get3A_456 = tpu.vector_load %get3A_453[%get3A_454, %get3A_455] {strides = array<i32>} : memref<400x64xi32, #tpu.memory_space<vmem>>, vector<16xi32>,
          %bitcast3A_457 = vector.bitcast %get3A_456 : vector<16xi32> to vector<32xbf16>
          %get3A_458 = arith.constant 0 : i32
          %get3A_459 = arith.constant 0 : i32
          %get3A_460 = tpu.memref_slice %arg9[%scan3A_228, %get3A_458, %get3A_459] : memref<2x400x64xi32, #tpu.memory_space<vmem>> -> memref<1x400x64xi32, #tpu.memory_space<vmem>>
          %get3A_461 = tpu.memref_squeeze %get3A_460 : memref<1x400x64xi32, #tpu.memory_space<vmem>> -> memref<400x64xi32, #tpu.memory_space<vmem>>
          %get3A_462 = arith.index_cast %add3A_447 : i32 to index
          %get3A_463 = arith.constant 0 : index
          %get3A_464 = tpu.vector_load %get3A_461[%get3A_462, %get3A_463] {strides = array<i32>} : memref<400x64xi32, #tpu.memory_space<vmem>>, vector<16xi32>,
          %bitcast3A_465 = vector.bitcast %get3A_464 : vector<16xi32> to vector<32xbf16>
          %get3A_466 = arith.constant 0 : i32
          %get3A_467 = arith.constant 0 : i32
          %get3A_468 = tpu.memref_slice %arg8[%scan3A_227, %get3A_466, %get3A_467] : memref<2x400x64xi32, #tpu.memory_space<vmem>> -> memref<1x400x64xi32, #tpu.memory_space<vmem>>
          %get3A_469 = tpu.memref_squeeze %get3A_468 : memref<1x400x64xi32, #tpu.memory_space<vmem>> -> memref<400x64xi32, #tpu.memory_space<vmem>>
          %get3A_470 = arith.index_cast %add3A_447 : i32 to index
          %get3A_471 = arith.constant 16 : index
          %get3A_472 = tpu.vector_load %get3A_469[%get3A_470, %get3A_471] {strides = array<i32>} : memref<400x64xi32, #tpu.memory_space<vmem>>, vector<16xi32>,
          %bitcast3A_473 = vector.bitcast %get3A_472 : vector<16xi32> to vector<32xbf16>
          %get3A_474 = arith.constant 0 : i32
          %get3A_475 = arith.constant 0 : i32
          %get3A_476 = tpu.memref_slice %arg9[%scan3A_228, %get3A_474, %get3A_475] : memref<2x400x64xi32, #tpu.memory_space<vmem>> -> memref<1x400x64xi32, #tpu.memory_space<vmem>>
          %get3A_477 = tpu.memref_squeeze %get3A_476 : memref<1x400x64xi32, #tpu.memory_space<vmem>> -> memref<400x64xi32, #tpu.memory_space<vmem>>
          %get3A_478 = arith.index_cast %add3A_447 : i32 to index
          %get3A_479 = arith.constant 16 : index
          %get3A_480 = tpu.vector_load %get3A_477[%get3A_478, %get3A_479] {strides = array<i32>} : memref<400x64xi32, #tpu.memory_space<vmem>>, vector<16xi32>,
          %bitcast3A_481 = vector.bitcast %get3A_480 : vector<16xi32> to vector<32xbf16>
          %mul3A_482 = arith.mulf %bitcast3A_457, %bitcast3A_465 : vector<32xbf16>
          %mul3A_483 = arith.mulf %bitcast3A_473, %bitcast3A_481 : vector<32xbf16>
          %add3A_484 = arith.addf %mul3A_482, %mul3A_483 : vector<32xbf16>
          %unpack3A_485 = tpu.unpack_subelements %add3A_484, 0 {pack_format = #tpu.pack_format<interleaved>} : vector<32xbf16> -> vector<16xf32>
          %unpack3A_486 = tpu.unpack_subelements %add3A_484, 1 {pack_format = #tpu.pack_format<interleaved>} : vector<32xbf16> -> vector<16xf32>
          %add3A_487 = arith.addf %broadcast_in_dim3A_449, %unpack3A_485 : vector<16xf32>
          %add3A_488 = arith.addf %add3A_487, %unpack3A_486 : vector<16xf32>
          %get3A_489 = arith.constant 0 : i32
          %get3A_490 = arith.constant 0 : i32
          %get3A_491 = tpu.memref_slice %arg8[%scan3A_227, %get3A_489, %get3A_490] : memref<2x400x64xi32, #tpu.memory_space<vmem>> -> memref<1x400x64xi32, #tpu.memory_space<vmem>>
          %get3A_492 = tpu.memref_squeeze %get3A_491 : memref<1x400x64xi32, #tpu.memory_space<vmem>> -> memref<400x64xi32, #tpu.memory_space<vmem>>
          %get3A_493 = arith.index_cast %add3A_447 : i32 to index
          %get3A_494 = arith.constant 32 : index
          %get3A_495 = tpu.vector_load %get3A_492[%get3A_493, %get3A_494] {strides = array<i32>} : memref<400x64xi32, #tpu.memory_space<vmem>>, vector<16xi32>,
          %bitcast3A_496 = vector.bitcast %get3A_495 : vector<16xi32> to vector<32xbf16>
          %get3A_497 = arith.constant 0 : i32
          %get3A_498 = arith.constant 0 : i32
          %get3A_499 = tpu.memref_slice %arg9[%scan3A_228, %get3A_497, %get3A_498] : memref<2x400x64xi32, #tpu.memory_space<vmem>> -> memref<1x400x64xi32, #tpu.memory_space<vmem>>
          %get3A_500 = tpu.memref_squeeze %get3A_499 : memref<1x400x64xi32, #tpu.memory_space<vmem>> -> memref<400x64xi32, #tpu.memory_space<vmem>>
          %get3A_501 = arith.index_cast %add3A_447 : i32 to index
          %get3A_502 = arith.constant 32 : index
          %get3A_503 = tpu.vector_load %get3A_500[%get3A_501, %get3A_502] {strides = array<i32>} : memref<400x64xi32, #tpu.memory_space<vmem>>, vector<16xi32>,
          %bitcast3A_504 = vector.bitcast %get3A_503 : vector<16xi32> to vector<32xbf16>
          %get3A_505 = arith.constant 0 : i32
          %get3A_506 = arith.constant 0 : i32
          %get3A_507 = tpu.memref_slice %arg8[%scan3A_227, %get3A_505, %get3A_506] : memref<2x400x64xi32, #tpu.memory_space<vmem>> -> memref<1x400x64xi32, #tpu.memory_space<vmem>>
          %get3A_508 = tpu.memref_squeeze %get3A_507 : memref<1x400x64xi32, #tpu.memory_space<vmem>> -> memref<400x64xi32, #tpu.memory_space<vmem>>
          %get3A_509 = arith.index_cast %add3A_447 : i32 to index
          %get3A_510 = arith.constant 48 : index
          %get3A_511 = tpu.vector_load %get3A_508[%get3A_509, %get3A_510] {strides = array<i32>} : memref<400x64xi32, #tpu.memory_space<vmem>>, vector<16xi32>,
          %bitcast3A_512 = vector.bitcast %get3A_511 : vector<16xi32> to vector<32xbf16>
          %get3A_513 = arith.constant 0 : i32
          %get3A_514 = arith.constant 0 : i32
          %get3A_515 = tpu.memref_slice %arg9[%scan3A_228, %get3A_513, %get3A_514] : memref<2x400x64xi32, #tpu.memory_space<vmem>> -> memref<1x400x64xi32, #tpu.memory_space<vmem>>
          %get3A_516 = tpu.memref_squeeze %get3A_515 : memref<1x400x64xi32, #tpu.memory_space<vmem>> -> memref<400x64xi32, #tpu.memory_space<vmem>>
          %get3A_517 = arith.index_cast %add3A_447 : i32 to index
          %get3A_518 = arith.constant 48 : index
          %get3A_519 = tpu.vector_load %get3A_516[%get3A_517, %get3A_518] {strides = array<i32>} : memref<400x64xi32, #tpu.memory_space<vmem>>, vector<16xi32>,
          %bitcast3A_520 = vector.bitcast %get3A_519 : vector<16xi32> to vector<32xbf16>
          %mul3A_521 = arith.mulf %bitcast3A_496, %bitcast3A_504 : vector<32xbf16>
          %mul3A_522 = arith.mulf %bitcast3A_512, %bitcast3A_520 : vector<32xbf16>
          %add3A_523 = arith.addf %mul3A_521, %mul3A_522 : vector<32xbf16>
          %unpack3A_524 = tpu.unpack_subelements %add3A_523, 0 {pack_format = #tpu.pack_format<interleaved>} : vector<32xbf16> -> vector<16xf32>
          %unpack3A_525 = tpu.unpack_subelements %add3A_523, 1 {pack_format = #tpu.pack_format<interleaved>} : vector<32xbf16> -> vector<16xf32>
          %add3A_526 = arith.addf %add3A_488, %unpack3A_524 : vector<16xf32>
          %add3A_527 = arith.addf %add3A_526, %unpack3A_525 : vector<16xf32>
          %reduce_sum3A_528 = arith.constant true
          %reduce_sum3A_529 = vector.broadcast %reduce_sum3A_528 : i1 to vector<16xi1>
          %reduce_sum3A_530 = tpu.scan <sum>, %add3A_527 masked %reduce_sum3A_529 : vector<16xf32>, vector<16xi1> -> vector<16xf32>
          %reduce_sum3A_531 = vector.extract %reduce_sum3A_530[15] : f32 from vector<16xf32>
          %eq3A_532 = vector.broadcast %scan3A_444 : i32 to vector<16xi32>
          %eq3A_533 = arith.cmpi eq, %iota3A, %eq3A_532 : vector<16xi32>
          %broadcast_in_dim3A_534 = vector.broadcast %reduce_sum3A_531 : f32 to vector<16xf32>
          %select_n3A_535 = arith.select %eq3A_533, %broadcast_in_dim3A_534, %select_n3A_442 : vector<16xi1>, vector<16xf32>
          %scan3A_536 = arith.constant 3 : i32
          %scan3A_537 = arith.addi %scan3A_263, %scan3A_536 : i32
          %mul3A_538 = arith.constant 16 : i32
          %mul3A_539 = arith.muli %scan3A_249, %mul3A_538 : i32
          %add3A_540 = arith.addi %mul3A_539, %scan3A_537 : i32
          %broadcast_in_dim3A_541 = arith.constant 0.000000e+00 : f32
          %broadcast_in_dim3A_542 = vector.broadcast %broadcast_in_dim3A_541 : f32 to vector<16xf32>
          %get3A_543 = arith.constant 0 : i32
          %get3A_544 = arith.constant 0 : i32
          %get3A_545 = tpu.memref_slice %arg8[%scan3A_227, %get3A_543, %get3A_544] : memref<2x400x64xi32, #tpu.memory_space<vmem>> -> memref<1x400x64xi32, #tpu.memory_space<vmem>>
          %get3A_546 = tpu.memref_squeeze %get3A_545 : memref<1x400x64xi32, #tpu.memory_space<vmem>> -> memref<400x64xi32, #tpu.memory_space<vmem>>
          %get3A_547 = arith.index_cast %add3A_540 : i32 to index
          %get3A_548 = arith.constant 0 : index
          %get3A_549 = tpu.vector_load %get3A_546[%get3A_547, %get3A_548] {strides = array<i32>} : memref<400x64xi32, #tpu.memory_space<vmem>>, vector<16xi32>,
          %bitcast3A_550 = vector.bitcast %get3A_549 : vector<16xi32> to vector<32xbf16>
          %get3A_551 = arith.constant 0 : i32
          %get3A_552 = arith.constant 0 : i32
          %get3A_553 = tpu.memref_slice %arg9[%scan3A_228, %get3A_551, %get3A_552] : memref<2x400x64xi32, #tpu.memory_space<vmem>> -> memref<1x400x64xi32, #tpu.memory_space<vmem>>
          %get3A_554 = tpu.memref_squeeze %get3A_553 : memref<1x400x64xi32, #tpu.memory_space<vmem>> -> memref<400x64xi32, #tpu.memory_space<vmem>>
          %get3A_555 = arith.index_cast %add3A_540 : i32 to index
          %get3A_556 = arith.constant 0 : index
          %get3A_557 = tpu.vector_load %get3A_554[%get3A_555, %get3A_556] {strides = array<i32>} : memref<400x64xi32, #tpu.memory_space<vmem>>, vector<16xi32>,
          %bitcast3A_558 = vector.bitcast %get3A_557 : vector<16xi32> to vector<32xbf16>
          %get3A_559 = arith.constant 0 : i32
          %get3A_560 = arith.constant 0 : i32
          %get3A_561 = tpu.memref_slice %arg8[%scan3A_227, %get3A_559, %get3A_560] : memref<2x400x64xi32, #tpu.memory_space<vmem>> -> memref<1x400x64xi32, #tpu.memory_space<vmem>>
          %get3A_562 = tpu.memref_squeeze %get3A_561 : memref<1x400x64xi32, #tpu.memory_space<vmem>> -> memref<400x64xi32, #tpu.memory_space<vmem>>
          %get3A_563 = arith.index_cast %add3A_540 : i32 to index
          %get3A_564 = arith.constant 16 : index
          %get3A_565 = tpu.vector_load %get3A_562[%get3A_563, %get3A_564] {strides = array<i32>} : memref<400x64xi32, #tpu.memory_space<vmem>>, vector<16xi32>,
          %bitcast3A_566 = vector.bitcast %get3A_565 : vector<16xi32> to vector<32xbf16>
          %get3A_567 = arith.constant 0 : i32
          %get3A_568 = arith.constant 0 : i32
          %get3A_569 = tpu.memref_slice %arg9[%scan3A_228, %get3A_567, %get3A_568] : memref<2x400x64xi32, #tpu.memory_space<vmem>> -> memref<1x400x64xi32, #tpu.memory_space<vmem>>
          %get3A_570 = tpu.memref_squeeze %get3A_569 : memref<1x400x64xi32, #tpu.memory_space<vmem>> -> memref<400x64xi32, #tpu.memory_space<vmem>>
          %get3A_571 = arith.index_cast %add3A_540 : i32 to index
          %get3A_572 = arith.constant 16 : index
          %get3A_573 = tpu.vector_load %get3A_570[%get3A_571, %get3A_572] {strides = array<i32>} : memref<400x64xi32, #tpu.memory_space<vmem>>, vector<16xi32>,
          %bitcast3A_574 = vector.bitcast %get3A_573 : vector<16xi32> to vector<32xbf16>
          %mul3A_575 = arith.mulf %bitcast3A_550, %bitcast3A_558 : vector<32xbf16>
          %mul3A_576 = arith.mulf %bitcast3A_566, %bitcast3A_574 : vector<32xbf16>
          %add3A_577 = arith.addf %mul3A_575, %mul3A_576 : vector<32xbf16>
          %unpack3A_578 = tpu.unpack_subelements %add3A_577, 0 {pack_format = #tpu.pack_format<interleaved>} : vector<32xbf16> -> vector<16xf32>
          %unpack3A_579 = tpu.unpack_subelements %add3A_577, 1 {pack_format = #tpu.pack_format<interleaved>} : vector<32xbf16> -> vector<16xf32>
          %add3A_580 = arith.addf %broadcast_in_dim3A_542, %unpack3A_578 : vector<16xf32>
          %add3A_581 = arith.addf %add3A_580, %unpack3A_579 : vector<16xf32>
          %get3A_582 = arith.constant 0 : i32
          %get3A_583 = arith.constant 0 : i32
          %get3A_584 = tpu.memref_slice %arg8[%scan3A_227, %get3A_582, %get3A_583] : memref<2x400x64xi32, #tpu.memory_space<vmem>> -> memref<1x400x64xi32, #tpu.memory_space<vmem>>
          %get3A_585 = tpu.memref_squeeze %get3A_584 : memref<1x400x64xi32, #tpu.memory_space<vmem>> -> memref<400x64xi32, #tpu.memory_space<vmem>>
          %get3A_586 = arith.index_cast %add3A_540 : i32 to index
          %get3A_587 = arith.constant 32 : index
          %get3A_588 = tpu.vector_load %get3A_585[%get3A_586, %get3A_587] {strides = array<i32>} : memref<400x64xi32, #tpu.memory_space<vmem>>, vector<16xi32>,
          %bitcast3A_589 = vector.bitcast %get3A_588 : vector<16xi32> to vector<32xbf16>
          %get3A_590 = arith.constant 0 : i32
          %get3A_591 = arith.constant 0 : i32
          %get3A_592 = tpu.memref_slice %arg9[%scan3A_228, %get3A_590, %get3A_591] : memref<2x400x64xi32, #tpu.memory_space<vmem>> -> memref<1x400x64xi32, #tpu.memory_space<vmem>>
          %get3A_593 = tpu.memref_squeeze %get3A_592 : memref<1x400x64xi32, #tpu.memory_space<vmem>> -> memref<400x64xi32, #tpu.memory_space<vmem>>
          %get3A_594 = arith.index_cast %add3A_540 : i32 to index
          %get3A_595 = arith.constant 32 : index
          %get3A_596 = tpu.vector_load %get3A_593[%get3A_594, %get3A_595] {strides = array<i32>} : memref<400x64xi32, #tpu.memory_space<vmem>>, vector<16xi32>,
          %bitcast3A_597 = vector.bitcast %get3A_596 : vector<16xi32> to vector<32xbf16>
          %get3A_598 = arith.constant 0 : i32
          %get3A_599 = arith.constant 0 : i32
          %get3A_600 = tpu.memref_slice %arg8[%scan3A_227, %get3A_598, %get3A_599] : memref<2x400x64xi32, #tpu.memory_space<vmem>> -> memref<1x400x64xi32, #tpu.memory_space<vmem>>
          %get3A_601 = tpu.memref_squeeze %get3A_600 : memref<1x400x64xi32, #tpu.memory_space<vmem>> -> memref<400x64xi32, #tpu.memory_space<vmem>>
          %get3A_602 = arith.index_cast %add3A_540 : i32 to index
          %get3A_603 = arith.constant 48 : index
          %get3A_604 = tpu.vector_load %get3A_601[%get3A_602, %get3A_603] {strides = array<i32>} : memref<400x64xi32, #tpu.memory_space<vmem>>, vector<16xi32>,
          %bitcast3A_605 = vector.bitcast %get3A_604 : vector<16xi32> to vector<32xbf16>
          %get3A_606 = arith.constant 0 : i32
          %get3A_607 = arith.constant 0 : i32
          %get3A_608 = tpu.memref_slice %arg9[%scan3A_228, %get3A_606, %get3A_607] : memref<2x400x64xi32, #tpu.memory_space<vmem>> -> memref<1x400x64xi32, #tpu.memory_space<vmem>>
          %get3A_609 = tpu.memref_squeeze %get3A_608 : memref<1x400x64xi32, #tpu.memory_space<vmem>> -> memref<400x64xi32, #tpu.memory_space<vmem>>
          %get3A_610 = arith.index_cast %add3A_540 : i32 to index
          %get3A_611 = arith.constant 48 : index
          %get3A_612 = tpu.vector_load %get3A_609[%get3A_610, %get3A_611] {strides = array<i32>} : memref<400x64xi32, #tpu.memory_space<vmem>>, vector<16xi32>,
          %bitcast3A_613 = vector.bitcast %get3A_612 : vector<16xi32> to vector<32xbf16>
          %mul3A_614 = arith.mulf %bitcast3A_589, %bitcast3A_597 : vector<32xbf16>
          %mul3A_615 = arith.mulf %bitcast3A_605, %bitcast3A_613 : vector<32xbf16>
          %add3A_616 = arith.addf %mul3A_614, %mul3A_615 : vector<32xbf16>
          %unpack3A_617 = tpu.unpack_subelements %add3A_616, 0 {pack_format = #tpu.pack_format<interleaved>} : vector<32xbf16> -> vector<16xf32>
          %unpack3A_618 = tpu.unpack_subelements %add3A_616, 1 {pack_format = #tpu.pack_format<interleaved>} : vector<32xbf16> -> vector<16xf32>
          %add3A_619 = arith.addf %add3A_581, %unpack3A_617 : vector<16xf32>
          %add3A_620 = arith.addf %add3A_619, %unpack3A_618 : vector<16xf32>
          %reduce_sum3A_621 = arith.constant true
          %reduce_sum3A_622 = vector.broadcast %reduce_sum3A_621 : i1 to vector<16xi1>
          %reduce_sum3A_623 = tpu.scan <sum>, %add3A_620 masked %reduce_sum3A_622 : vector<16xf32>, vector<16xi1> -> vector<16xf32>
          %reduce_sum3A_624 = vector.extract %reduce_sum3A_623[15] : f32 from vector<16xf32>
          %eq3A_625 = vector.broadcast %scan3A_537 : i32 to vector<16xi32>
          %eq3A_626 = arith.cmpi eq, %iota3A, %eq3A_625 : vector<16xi32>
          %broadcast_in_dim3A_627 = vector.broadcast %reduce_sum3A_624 : f32 to vector<16xf32>
          %select_n3A_628 = arith.select %eq3A_626, %broadcast_in_dim3A_627, %select_n3A_535 : vector<16xi1>, vector<16xf32>
          scf.yield %select_n3A_628 : vector<16xf32>
        }
        %scan3A_256 = arith.constant 16 : i32
        %mul3A_257 = arith.constant 16 : i32
        %mul3A_258 = arith.muli %scan3A_249, %mul3A_257 : i32
        %swap3A = arith.constant 0 : i32
        %swap3A_259 = tpu.memref_slice %arg10[%scan3A_229, %swap3A] : memref<2x400xf32, #tpu.memory_space<vmem>> -> memref<1x400xf32, #tpu.memory_space<vmem>>
        %swap3A_260 = tpu.memref_squeeze %swap3A_259 : memref<1x400xf32, #tpu.memory_space<vmem>> -> memref<400xf32, #tpu.memory_space<vmem>>
        %swap3A_261 = arith.index_cast %mul3A_258 : i32 to index
        %swap3A_262 = tpu.vector_load %swap3A_260[%swap3A_261] {strides = array<i32>} : memref<400xf32, #tpu.memory_space<vmem>>, vector<16xf32>,
        tpu.vector_store %swap3A_260[%swap3A_261], %scan3A_255 {strides = array<i32>} : memref<400xf32, #tpu.memory_space<vmem>>, vector<16xf32>,
      }
      %scan3A_234 = arith.constant 25 : i32
      %add3A_235 = arith.constant 1 : i32
      %add3A_236 = arith.addi %mul3A_109, %add3A_235 : i32
      %mul3A_237 = arith.constant 400 : i32
      %mul3A_238 = arith.muli %add3A_236, %mul3A_237 : i32
      %add3A_239 = arith.addi %mul3A_2, %mul3A_238 : i32
      %dma_start3A_240 = arith.constant 1 : i32
      %dma_start3A_241 = arith.constant 0 : i32
      %dma_start3A_242 = tpu.memref_slice %arg10[%dma_start3A_240, %dma_start3A_241] : memref<2x400xf32, #tpu.memory_space<vmem>> -> memref<1x400xf32, #tpu.memory_space<vmem>>
      %dma_start3A_243 = tpu.memref_squeeze %dma_start3A_242 : memref<1x400xf32, #tpu.memory_space<vmem>> -> memref<400xf32, #tpu.memory_space<vmem>>
      %dma_start3A_244 = tpu.memref_slice %arg5[%add3A_239] : memref<320000xf32, #tpu.memory_space<hbm>> -> memref<400xf32, #tpu.memory_space<hbm>>
      %dma_start3A_245 = tpu.memref_slice %arg5[%add3A_239] : memref<320000xf32, #tpu.memory_space<hbm>> -> memref<400xf32, #tpu.memory_space<hbm>>
      %dma_start3A_246 = arith.constant 0 : i32
      %dma_start3A_247 = tpu.memref_slice %arg10[%dma_start3A_240, %dma_start3A_246] : memref<2x400xf32, #tpu.memory_space<vmem>> -> memref<1x400xf32, #tpu.memory_space<vmem>>
      %dma_start3A_248 = tpu.memref_squeeze %dma_start3A_247 : memref<1x400xf32, #tpu.memory_space<vmem>> -> memref<400xf32, #tpu.memory_space<vmem>>
      tpu.enqueue_dma source(%dma_start3A_248 : memref<400xf32, #tpu.memory_space<vmem>>) target(%dma_start3A_245 : memref<400xf32, #tpu.memory_space<hbm>>) target_semaphore(%arg18 : memref<!tpu.dma_semaphore, #tpu.memory_space<semaphore_mem>>)
    }
    %scan3A_33 = arith.constant 12 : i32
    %dma_wait3A_34 = arith.constant 0 : i32
    %dma_wait3A_35 = arith.constant 0 : i32
    %dma_wait3A_36 = arith.constant 0 : i32
    %dma_wait3A_37 = tpu.memref_slice %arg8[%dma_wait3A_34, %dma_wait3A_35, %dma_wait3A_36] : memref<2x400x64xi32, #tpu.memory_space<vmem>> -> memref<1x400x64xi32, #tpu.memory_space<vmem>>
    %dma_wait3A_38 = tpu.memref_squeeze %dma_wait3A_37 : memref<1x400x64xi32, #tpu.memory_space<vmem>> -> memref<400x64xi32, #tpu.memory_space<vmem>>
    %dma_wait3A_39 = arith.constant 0 : i32
    %dma_wait3A_40 = tpu.memref_slice %arg6[%dma_wait3A_39] : memref<10000xi32, #tpu.memory_space<vmem>> -> memref<400xi32, #tpu.memory_space<vmem>>
    %dma_wait3A_41 = arith.constant 0 : i32
    %dma_wait3A_42 = arith.constant 0 : i32
    %dma_wait3A_43 = tpu.memref_slice %arg2[%dma_wait3A_41, %dma_wait3A_42] : memref<10000x64xi32, #tpu.memory_space<hbm>> -> memref<10000x64xi32, #tpu.memory_space<hbm>>
    tpu.wait_indirect_dma semaphore(%arg13 : memref<!tpu.dma_semaphore, #tpu.memory_space<semaphore_mem>>) src(%dma_wait3A_43 : memref<10000x64xi32, #tpu.memory_space<hbm>>) dst(%dma_wait3A_38 : memref<400x64xi32, #tpu.memory_space<vmem>>)
    %dma_wait3A_44 = arith.constant 0 : i32
    %dma_wait3A_45 = arith.constant 0 : i32
    %dma_wait3A_46 = arith.constant 0 : i32
    %dma_wait3A_47 = tpu.memref_slice %arg9[%dma_wait3A_44, %dma_wait3A_45, %dma_wait3A_46] : memref<2x400x64xi32, #tpu.memory_space<vmem>> -> memref<1x400x64xi32, #tpu.memory_space<vmem>>
    %dma_wait3A_48 = tpu.memref_squeeze %dma_wait3A_47 : memref<1x400x64xi32, #tpu.memory_space<vmem>> -> memref<400x64xi32, #tpu.memory_space<vmem>>
    %dma_wait3A_49 = arith.constant 0 : i32
    %dma_wait3A_50 = tpu.memref_slice %arg7[%dma_wait3A_49] : memref<10000xi32, #tpu.memory_space<vmem>> -> memref<400xi32, #tpu.memory_space<vmem>>
    %dma_wait3A_51 = arith.constant 0 : i32
    %dma_wait3A_52 = arith.constant 0 : i32
    %dma_wait3A_53 = tpu.memref_slice %arg2[%dma_wait3A_51, %dma_wait3A_52] : memref<10000x64xi32, #tpu.memory_space<hbm>> -> memref<10000x64xi32, #tpu.memory_space<hbm>>
    tpu.wait_indirect_dma semaphore(%arg14 : memref<!tpu.dma_semaphore, #tpu.memory_space<semaphore_mem>>) src(%dma_wait3A_53 : memref<10000x64xi32, #tpu.memory_space<hbm>>) dst(%dma_wait3A_48 : memref<400x64xi32, #tpu.memory_space<vmem>>)
    %dma_wait3A_54 = arith.constant 0 : i32
    %dma_wait3A_55 = arith.constant 0 : i32
    %dma_wait3A_56 = tpu.memref_slice %arg10[%dma_wait3A_54, %dma_wait3A_55] : memref<2x400xf32, #tpu.memory_space<vmem>> -> memref<1x400xf32, #tpu.memory_space<vmem>>
    %dma_wait3A_57 = tpu.memref_squeeze %dma_wait3A_56 : memref<1x400xf32, #tpu.memory_space<vmem>> -> memref<400xf32, #tpu.memory_space<vmem>>
    %dma_wait3A_58 = arith.constant 0 : i32
    %dma_wait3A_59 = tpu.memref_slice %arg5[%dma_wait3A_58] : memref<320000xf32, #tpu.memory_space<hbm>> -> memref<400xf32, #tpu.memory_space<hbm>>
    %dma_wait3A_60 = arith.constant 0 : i32
    %dma_wait3A_61 = tpu.memref_slice %arg5[%dma_wait3A_60] : memref<320000xf32, #tpu.memory_space<hbm>> -> memref<400xf32, #tpu.memory_space<hbm>>
    %dma_wait3A_62 = arith.constant 0 : i32
    %dma_wait3A_63 = tpu.memref_slice %arg10[%dma_wait3A_54, %dma_wait3A_62] : memref<2x400xf32, #tpu.memory_space<vmem>> -> memref<1x400xf32, #tpu.memory_space<vmem>>
    %dma_wait3A_64 = tpu.memref_squeeze %dma_wait3A_63 : memref<1x400xf32, #tpu.memory_space<vmem>> -> memref<400xf32, #tpu.memory_space<vmem>>
    tpu.wait_dma2 semaphore(%arg17 : memref<!tpu.dma_semaphore, #tpu.memory_space<semaphore_mem>>) src(%dma_wait3A_64 : memref<400xf32, #tpu.memory_space<vmem>>) dst(%dma_wait3A_61 : memref<400xf32, #tpu.memory_space<hbm>>)
    %scan3A_65 = arith.constant 0 : i32
    %scan3A_66 = arith.constant 0 : i32
    %scan3A_67 = arith.constant 0 : i32
    %scan3A_68 = arith.constant 0 : i32
    %scan3A_69 = arith.constant 0 : i32
    %scan3A_70 = arith.constant 25 : i32
    %scan3A_71 = arith.addi %scan3A_69, %scan3A_70 : i32
    %scan3A_72 = arith.constant 1 : i32
    scf.for %scan3A_107 = %scan3A_69 to %scan3A_71 step %scan3A_72  : i32 {
      %broadcast_in_dim3A = arith.constant 0.000000e+00 : f32
      %broadcast_in_dim3A_108 = vector.broadcast %broadcast_in_dim3A : f32 to vector<16xf32>
      %scan3A_109 = arith.constant 0 : i32
      %scan3A_110 = arith.constant 16 : i32
      %scan3A_111 = arith.addi %scan3A_109, %scan3A_110 : i32
      %scan3A_112 = arith.constant 4 : i32
      %scan3A_113 = scf.for %scan3A_121 = %scan3A_109 to %scan3A_111 step %scan3A_112 iter_args(%scan3A_122 = %broadcast_in_dim3A_108) -> (vector<16xf32>)  : i32 {
        %mul3A_123 = arith.constant 16 : i32
        %mul3A_124 = arith.muli %scan3A_107, %mul3A_123 : i32
        %add3A_125 = arith.addi %mul3A_124, %scan3A_121 : i32
        %broadcast_in_dim3A_126 = arith.constant 0.000000e+00 : f32
        %broadcast_in_dim3A_127 = vector.broadcast %broadcast_in_dim3A_126 : f32 to vector<16xf32>
        %get3A = arith.constant 0 : i32
        %get3A_128 = arith.constant 0 : i32
        %get3A_129 = tpu.memref_slice %arg8[%scan3A_66, %get3A, %get3A_128] : memref<2x400x64xi32, #tpu.memory_space<vmem>> -> memref<1x400x64xi32, #tpu.memory_space<vmem>>
        %get3A_130 = tpu.memref_squeeze %get3A_129 : memref<1x400x64xi32, #tpu.memory_space<vmem>> -> memref<400x64xi32, #tpu.memory_space<vmem>>
        %get3A_131 = arith.index_cast %add3A_125 : i32 to index
        %get3A_132 = arith.constant 0 : index
        %get3A_133 = tpu.vector_load %get3A_130[%get3A_131, %get3A_132] {strides = array<i32>} : memref<400x64xi32, #tpu.memory_space<vmem>>, vector<16xi32>,
        %bitcast3A = vector.bitcast %get3A_133 : vector<16xi32> to vector<32xbf16>
        %get3A_134 = arith.constant 0 : i32
        %get3A_135 = arith.constant 0 : i32
        %get3A_136 = tpu.memref_slice %arg9[%scan3A_67, %get3A_134, %get3A_135] : memref<2x400x64xi32, #tpu.memory_space<vmem>> -> memref<1x400x64xi32, #tpu.memory_space<vmem>>
        %get3A_137 = tpu.memref_squeeze %get3A_136 : memref<1x400x64xi32, #tpu.memory_space<vmem>> -> memref<400x64xi32, #tpu.memory_space<vmem>>
        %get3A_138 = arith.index_cast %add3A_125 : i32 to index
        %get3A_139 = arith.constant 0 : index
        %get3A_140 = tpu.vector_load %get3A_137[%get3A_138, %get3A_139] {strides = array<i32>} : memref<400x64xi32, #tpu.memory_space<vmem>>, vector<16xi32>,
        %bitcast3A_141 = vector.bitcast %get3A_140 : vector<16xi32> to vector<32xbf16>
        %get3A_142 = arith.constant 0 : i32
        %get3A_143 = arith.constant 0 : i32
        %get3A_144 = tpu.memref_slice %arg8[%scan3A_66, %get3A_142, %get3A_143] : memref<2x400x64xi32, #tpu.memory_space<vmem>> -> memref<1x400x64xi32, #tpu.memory_space<vmem>>
        %get3A_145 = tpu.memref_squeeze %get3A_144 : memref<1x400x64xi32, #tpu.memory_space<vmem>> -> memref<400x64xi32, #tpu.memory_space<vmem>>
        %get3A_146 = arith.index_cast %add3A_125 : i32 to index
        %get3A_147 = arith.constant 16 : index
        %get3A_148 = tpu.vector_load %get3A_145[%get3A_146, %get3A_147] {strides = array<i32>} : memref<400x64xi32, #tpu.memory_space<vmem>>, vector<16xi32>,
        %bitcast3A_149 = vector.bitcast %get3A_148 : vector<16xi32> to vector<32xbf16>
        %get3A_150 = arith.constant 0 : i32
        %get3A_151 = arith.constant 0 : i32
        %get3A_152 = tpu.memref_slice %arg9[%scan3A_67, %get3A_150, %get3A_151] : memref<2x400x64xi32, #tpu.memory_space<vmem>> -> memref<1x400x64xi32, #tpu.memory_space<vmem>>
        %get3A_153 = tpu.memref_squeeze %get3A_152 : memref<1x400x64xi32, #tpu.memory_space<vmem>> -> memref<400x64xi32, #tpu.memory_space<vmem>>
        %get3A_154 = arith.index_cast %add3A_125 : i32 to index
        %get3A_155 = arith.constant 16 : index
        %get3A_156 = tpu.vector_load %get3A_153[%get3A_154, %get3A_155] {strides = array<i32>} : memref<400x64xi32, #tpu.memory_space<vmem>>, vector<16xi32>,
        %bitcast3A_157 = vector.bitcast %get3A_156 : vector<16xi32> to vector<32xbf16>
        %mul3A_158 = arith.mulf %bitcast3A, %bitcast3A_141 : vector<32xbf16>
        %mul3A_159 = arith.mulf %bitcast3A_149, %bitcast3A_157 : vector<32xbf16>
        %add3A_160 = arith.addf %mul3A_158, %mul3A_159 : vector<32xbf16>
        %unpack3A = tpu.unpack_subelements %add3A_160, 0 {pack_format = #tpu.pack_format<interleaved>} : vector<32xbf16> -> vector<16xf32>
        %unpack3A_161 = tpu.unpack_subelements %add3A_160, 1 {pack_format = #tpu.pack_format<interleaved>} : vector<32xbf16> -> vector<16xf32>
        %add3A_162 = arith.addf %broadcast_in_dim3A_127, %unpack3A : vector<16xf32>
        %add3A_163 = arith.addf %add3A_162, %unpack3A_161 : vector<16xf32>
        %get3A_164 = arith.constant 0 : i32
        %get3A_165 = arith.constant 0 : i32
        %get3A_166 = tpu.memref_slice %arg8[%scan3A_66, %get3A_164, %get3A_165] : memref<2x400x64xi32, #tpu.memory_space<vmem>> -> memref<1x400x64xi32, #tpu.memory_space<vmem>>
        %get3A_167 = tpu.memref_squeeze %get3A_166 : memref<1x400x64xi32, #tpu.memory_space<vmem>> -> memref<400x64xi32, #tpu.memory_space<vmem>>
        %get3A_168 = arith.index_cast %add3A_125 : i32 to index
        %get3A_169 = arith.constant 32 : index
        %get3A_170 = tpu.vector_load %get3A_167[%get3A_168, %get3A_169] {strides = array<i32>} : memref<400x64xi32, #tpu.memory_space<vmem>>, vector<16xi32>,
        %bitcast3A_171 = vector.bitcast %get3A_170 : vector<16xi32> to vector<32xbf16>
        %get3A_172 = arith.constant 0 : i32
        %get3A_173 = arith.constant 0 : i32
        %get3A_174 = tpu.memref_slice %arg9[%scan3A_67, %get3A_172, %get3A_173] : memref<2x400x64xi32, #tpu.memory_space<vmem>> -> memref<1x400x64xi32, #tpu.memory_space<vmem>>
        %get3A_175 = tpu.memref_squeeze %get3A_174 : memref<1x400x64xi32, #tpu.memory_space<vmem>> -> memref<400x64xi32, #tpu.memory_space<vmem>>
        %get3A_176 = arith.index_cast %add3A_125 : i32 to index
        %get3A_177 = arith.constant 32 : index
        %get3A_178 = tpu.vector_load %get3A_175[%get3A_176, %get3A_177] {strides = array<i32>} : memref<400x64xi32, #tpu.memory_space<vmem>>, vector<16xi32>,
        %bitcast3A_179 = vector.bitcast %get3A_178 : vector<16xi32> to vector<32xbf16>
        %get3A_180 = arith.constant 0 : i32
        %get3A_181 = arith.constant 0 : i32
        %get3A_182 = tpu.memref_slice %arg8[%scan3A_66, %get3A_180, %get3A_181] : memref<2x400x64xi32, #tpu.memory_space<vmem>> -> memref<1x400x64xi32, #tpu.memory_space<vmem>>
        %get3A_183 = tpu.memref_squeeze %get3A_182 : memref<1x400x64xi32, #tpu.memory_space<vmem>> -> memref<400x64xi32, #tpu.memory_space<vmem>>
        %get3A_184 = arith.index_cast %add3A_125 : i32 to index
        %get3A_185 = arith.constant 48 : index
        %get3A_186 = tpu.vector_load %get3A_183[%get3A_184, %get3A_185] {strides = array<i32>} : memref<400x64xi32, #tpu.memory_space<vmem>>, vector<16xi32>,
        %bitcast3A_187 = vector.bitcast %get3A_186 : vector<16xi32> to vector<32xbf16>
        %get3A_188 = arith.constant 0 : i32
        %get3A_189 = arith.constant 0 : i32
        %get3A_190 = tpu.memref_slice %arg9[%scan3A_67, %get3A_188, %get3A_189] : memref<2x400x64xi32, #tpu.memory_space<vmem>> -> memref<1x400x64xi32, #tpu.memory_space<vmem>>
        %get3A_191 = tpu.memref_squeeze %get3A_190 : memref<1x400x64xi32, #tpu.memory_space<vmem>> -> memref<400x64xi32, #tpu.memory_space<vmem>>
        %get3A_192 = arith.index_cast %add3A_125 : i32 to index
        %get3A_193 = arith.constant 48 : index
        %get3A_194 = tpu.vector_load %get3A_191[%get3A_192, %get3A_193] {strides = array<i32>} : memref<400x64xi32, #tpu.memory_space<vmem>>, vector<16xi32>,
        %bitcast3A_195 = vector.bitcast %get3A_194 : vector<16xi32> to vector<32xbf16>
        %mul3A_196 = arith.mulf %bitcast3A_171, %bitcast3A_179 : vector<32xbf16>
        %mul3A_197 = arith.mulf %bitcast3A_187, %bitcast3A_195 : vector<32xbf16>
        %add3A_198 = arith.addf %mul3A_196, %mul3A_197 : vector<32xbf16>
        %unpack3A_199 = tpu.unpack_subelements %add3A_198, 0 {pack_format = #tpu.pack_format<interleaved>} : vector<32xbf16> -> vector<16xf32>
        %unpack3A_200 = tpu.unpack_subelements %add3A_198, 1 {pack_format = #tpu.pack_format<interleaved>} : vector<32xbf16> -> vector<16xf32>
        %add3A_201 = arith.addf %add3A_163, %unpack3A_199 : vector<16xf32>
        %add3A_202 = arith.addf %add3A_201, %unpack3A_200 : vector<16xf32>
        %reduce_sum3A = arith.constant true
        %reduce_sum3A_203 = vector.broadcast %reduce_sum3A : i1 to vector<16xi1>
        %reduce_sum3A_204 = tpu.scan <sum>, %add3A_202 masked %reduce_sum3A_203 : vector<16xf32>, vector<16xi1> -> vector<16xf32>
        %reduce_sum3A_205 = vector.extract %reduce_sum3A_204[15] : f32 from vector<16xf32>
        %eq3A = vector.broadcast %scan3A_121 : i32 to vector<16xi32>
        %eq3A_206 = arith.cmpi eq, %iota3A, %eq3A : vector<16xi32>
        %broadcast_in_dim3A_207 = vector.broadcast %reduce_sum3A_205 : f32 to vector<16xf32>
        %select_n3A = arith.select %eq3A_206, %broadcast_in_dim3A_207, %scan3A_122 : vector<16xi1>, vector<16xf32>
        %scan3A_208 = arith.constant 1 : i32
        %scan3A_209 = arith.addi %scan3A_121, %scan3A_208 : i32
        %mul3A_210 = arith.constant 16 : i32
        %mul3A_211 = arith.muli %scan3A_107, %mul3A_210 : i32
        %add3A_212 = arith.addi %mul3A_211, %scan3A_209 : i32
        %broadcast_in_dim3A_213 = arith.constant 0.000000e+00 : f32
        %broadcast_in_dim3A_214 = vector.broadcast %broadcast_in_dim3A_213 : f32 to vector<16xf32>
        %get3A_215 = arith.constant 0 : i32
        %get3A_216 = arith.constant 0 : i32
        %get3A_217 = tpu.memref_slice %arg8[%scan3A_66, %get3A_215, %get3A_216] : memref<2x400x64xi32, #tpu.memory_space<vmem>> -> memref<1x400x64xi32, #tpu.memory_space<vmem>>
        %get3A_218 = tpu.memref_squeeze %get3A_217 : memref<1x400x64xi32, #tpu.memory_space<vmem>> -> memref<400x64xi32, #tpu.memory_space<vmem>>
        %get3A_219 = arith.index_cast %add3A_212 : i32 to index
        %get3A_220 = arith.constant 0 : index
        %get3A_221 = tpu.vector_load %get3A_218[%get3A_219, %get3A_220] {strides = array<i32>} : memref<400x64xi32, #tpu.memory_space<vmem>>, vector<16xi32>,
        %bitcast3A_222 = vector.bitcast %get3A_221 : vector<16xi32> to vector<32xbf16>
        %get3A_223 = arith.constant 0 : i32
        %get3A_224 = arith.constant 0 : i32
        %get3A_225 = tpu.memref_slice %arg9[%scan3A_67, %get3A_223, %get3A_224] : memref<2x400x64xi32, #tpu.memory_space<vmem>> -> memref<1x400x64xi32, #tpu.memory_space<vmem>>
        %get3A_226 = tpu.memref_squeeze %get3A_225 : memref<1x400x64xi32, #tpu.memory_space<vmem>> -> memref<400x64xi32, #tpu.memory_space<vmem>>
        %get3A_227 = arith.index_cast %add3A_212 : i32 to index
        %get3A_228 = arith.constant 0 : index
        %get3A_229 = tpu.vector_load %get3A_226[%get3A_227, %get3A_228] {strides = array<i32>} : memref<400x64xi32, #tpu.memory_space<vmem>>, vector<16xi32>,
        %bitcast3A_230 = vector.bitcast %get3A_229 : vector<16xi32> to vector<32xbf16>
        %get3A_231 = arith.constant 0 : i32
        %get3A_232 = arith.constant 0 : i32
        %get3A_233 = tpu.memref_slice %arg8[%scan3A_66, %get3A_231, %get3A_232] : memref<2x400x64xi32, #tpu.memory_space<vmem>> -> memref<1x400x64xi32, #tpu.memory_space<vmem>>
        %get3A_234 = tpu.memref_squeeze %get3A_233 : memref<1x400x64xi32, #tpu.memory_space<vmem>> -> memref<400x64xi32, #tpu.memory_space<vmem>>
        %get3A_235 = arith.index_cast %add3A_212 : i32 to index
        %get3A_236 = arith.constant 16 : index
        %get3A_237 = tpu.vector_load %get3A_234[%get3A_235, %get3A_236] {strides = array<i32>} : memref<400x64xi32, #tpu.memory_space<vmem>>, vector<16xi32>,
        %bitcast3A_238 = vector.bitcast %get3A_237 : vector<16xi32> to vector<32xbf16>
        %get3A_239 = arith.constant 0 : i32
        %get3A_240 = arith.constant 0 : i32
        %get3A_241 = tpu.memref_slice %arg9[%scan3A_67, %get3A_239, %get3A_240] : memref<2x400x64xi32, #tpu.memory_space<vmem>> -> memref<1x400x64xi32, #tpu.memory_space<vmem>>
        %get3A_242 = tpu.memref_squeeze %get3A_241 : memref<1x400x64xi32, #tpu.memory_space<vmem>> -> memref<400x64xi32, #tpu.memory_space<vmem>>
        %get3A_243 = arith.index_cast %add3A_212 : i32 to index
        %get3A_244 = arith.constant 16 : index
        %get3A_245 = tpu.vector_load %get3A_242[%get3A_243, %get3A_244] {strides = array<i32>} : memref<400x64xi32, #tpu.memory_space<vmem>>, vector<16xi32>,
        %bitcast3A_246 = vector.bitcast %get3A_245 : vector<16xi32> to vector<32xbf16>
        %mul3A_247 = arith.mulf %bitcast3A_222, %bitcast3A_230 : vector<32xbf16>
        %mul3A_248 = arith.mulf %bitcast3A_238, %bitcast3A_246 : vector<32xbf16>
        %add3A_249 = arith.addf %mul3A_247, %mul3A_248 : vector<32xbf16>
        %unpack3A_250 = tpu.unpack_subelements %add3A_249, 0 {pack_format = #tpu.pack_format<interleaved>} : vector<32xbf16> -> vector<16xf32>
        %unpack3A_251 = tpu.unpack_subelements %add3A_249, 1 {pack_format = #tpu.pack_format<interleaved>} : vector<32xbf16> -> vector<16xf32>
        %add3A_252 = arith.addf %broadcast_in_dim3A_214, %unpack3A_250 : vector<16xf32>
        %add3A_253 = arith.addf %add3A_252, %unpack3A_251 : vector<16xf32>
        %get3A_254 = arith.constant 0 : i32
        %get3A_255 = arith.constant 0 : i32
        %get3A_256 = tpu.memref_slice %arg8[%scan3A_66, %get3A_254, %get3A_255] : memref<2x400x64xi32, #tpu.memory_space<vmem>> -> memref<1x400x64xi32, #tpu.memory_space<vmem>>
        %get3A_257 = tpu.memref_squeeze %get3A_256 : memref<1x400x64xi32, #tpu.memory_space<vmem>> -> memref<400x64xi32, #tpu.memory_space<vmem>>
        %get3A_258 = arith.index_cast %add3A_212 : i32 to index
        %get3A_259 = arith.constant 32 : index
        %get3A_260 = tpu.vector_load %get3A_257[%get3A_258, %get3A_259] {strides = array<i32>} : memref<400x64xi32, #tpu.memory_space<vmem>>, vector<16xi32>,
        %bitcast3A_261 = vector.bitcast %get3A_260 : vector<16xi32> to vector<32xbf16>
        %get3A_262 = arith.constant 0 : i32
        %get3A_263 = arith.constant 0 : i32
        %get3A_264 = tpu.memref_slice %arg9[%scan3A_67, %get3A_262, %get3A_263] : memref<2x400x64xi32, #tpu.memory_space<vmem>> -> memref<1x400x64xi32, #tpu.memory_space<vmem>>
        %get3A_265 = tpu.memref_squeeze %get3A_264 : memref<1x400x64xi32, #tpu.memory_space<vmem>> -> memref<400x64xi32, #tpu.memory_space<vmem>>
        %get3A_266 = arith.index_cast %add3A_212 : i32 to index
        %get3A_267 = arith.constant 32 : index
        %get3A_268 = tpu.vector_load %get3A_265[%get3A_266, %get3A_267] {strides = array<i32>} : memref<400x64xi32, #tpu.memory_space<vmem>>, vector<16xi32>,
        %bitcast3A_269 = vector.bitcast %get3A_268 : vector<16xi32> to vector<32xbf16>
        %get3A_270 = arith.constant 0 : i32
        %get3A_271 = arith.constant 0 : i32
        %get3A_272 = tpu.memref_slice %arg8[%scan3A_66, %get3A_270, %get3A_271] : memref<2x400x64xi32, #tpu.memory_space<vmem>> -> memref<1x400x64xi32, #tpu.memory_space<vmem>>
        %get3A_273 = tpu.memref_squeeze %get3A_272 : memref<1x400x64xi32, #tpu.memory_space<vmem>> -> memref<400x64xi32, #tpu.memory_space<vmem>>
        %get3A_274 = arith.index_cast %add3A_212 : i32 to index
        %get3A_275 = arith.constant 48 : index
        %get3A_276 = tpu.vector_load %get3A_273[%get3A_274, %get3A_275] {strides = array<i32>} : memref<400x64xi32, #tpu.memory_space<vmem>>, vector<16xi32>,
        %bitcast3A_277 = vector.bitcast %get3A_276 : vector<16xi32> to vector<32xbf16>
        %get3A_278 = arith.constant 0 : i32
        %get3A_279 = arith.constant 0 : i32
        %get3A_280 = tpu.memref_slice %arg9[%scan3A_67, %get3A_278, %get3A_279] : memref<2x400x64xi32, #tpu.memory_space<vmem>> -> memref<1x400x64xi32, #tpu.memory_space<vmem>>
        %get3A_281 = tpu.memref_squeeze %get3A_280 : memref<1x400x64xi32, #tpu.memory_space<vmem>> -> memref<400x64xi32, #tpu.memory_space<vmem>>
        %get3A_282 = arith.index_cast %add3A_212 : i32 to index
        %get3A_283 = arith.constant 48 : index
        %get3A_284 = tpu.vector_load %get3A_281[%get3A_282, %get3A_283] {strides = array<i32>} : memref<400x64xi32, #tpu.memory_space<vmem>>, vector<16xi32>,
        %bitcast3A_285 = vector.bitcast %get3A_284 : vector<16xi32> to vector<32xbf16>
        %mul3A_286 = arith.mulf %bitcast3A_261, %bitcast3A_269 : vector<32xbf16>
        %mul3A_287 = arith.mulf %bitcast3A_277, %bitcast3A_285 : vector<32xbf16>
        %add3A_288 = arith.addf %mul3A_286, %mul3A_287 : vector<32xbf16>
        %unpack3A_289 = tpu.unpack_subelements %add3A_288, 0 {pack_format = #tpu.pack_format<interleaved>} : vector<32xbf16> -> vector<16xf32>
        %unpack3A_290 = tpu.unpack_subelements %add3A_288, 1 {pack_format = #tpu.pack_format<interleaved>} : vector<32xbf16> -> vector<16xf32>
        %add3A_291 = arith.addf %add3A_253, %unpack3A_289 : vector<16xf32>
        %add3A_292 = arith.addf %add3A_291, %unpack3A_290 : vector<16xf32>
        %reduce_sum3A_293 = arith.constant true
        %reduce_sum3A_294 = vector.broadcast %reduce_sum3A_293 : i1 to vector<16xi1>
        %reduce_sum3A_295 = tpu.scan <sum>, %add3A_292 masked %reduce_sum3A_294 : vector<16xf32>, vector<16xi1> -> vector<16xf32>
        %reduce_sum3A_296 = vector.extract %reduce_sum3A_295[15] : f32 from vector<16xf32>
        %eq3A_297 = vector.broadcast %scan3A_209 : i32 to vector<16xi32>
        %eq3A_298 = arith.cmpi eq, %iota3A, %eq3A_297 : vector<16xi32>
        %broadcast_in_dim3A_299 = vector.broadcast %reduce_sum3A_296 : f32 to vector<16xf32>
        %select_n3A_300 = arith.select %eq3A_298, %broadcast_in_dim3A_299, %select_n3A : vector<16xi1>, vector<16xf32>
        %scan3A_301 = arith.constant 2 : i32
        %scan3A_302 = arith.addi %scan3A_121, %scan3A_301 : i32
        %mul3A_303 = arith.constant 16 : i32
        %mul3A_304 = arith.muli %scan3A_107, %mul3A_303 : i32
        %add3A_305 = arith.addi %mul3A_304, %scan3A_302 : i32
        %broadcast_in_dim3A_306 = arith.constant 0.000000e+00 : f32
        %broadcast_in_dim3A_307 = vector.broadcast %broadcast_in_dim3A_306 : f32 to vector<16xf32>
        %get3A_308 = arith.constant 0 : i32
        %get3A_309 = arith.constant 0 : i32
        %get3A_310 = tpu.memref_slice %arg8[%scan3A_66, %get3A_308, %get3A_309] : memref<2x400x64xi32, #tpu.memory_space<vmem>> -> memref<1x400x64xi32, #tpu.memory_space<vmem>>
        %get3A_311 = tpu.memref_squeeze %get3A_310 : memref<1x400x64xi32, #tpu.memory_space<vmem>> -> memref<400x64xi32, #tpu.memory_space<vmem>>
        %get3A_312 = arith.index_cast %add3A_305 : i32 to index
        %get3A_313 = arith.constant 0 : index
        %get3A_314 = tpu.vector_load %get3A_311[%get3A_312, %get3A_313] {strides = array<i32>} : memref<400x64xi32, #tpu.memory_space<vmem>>, vector<16xi32>,
        %bitcast3A_315 = vector.bitcast %get3A_314 : vector<16xi32> to vector<32xbf16>
        %get3A_316 = arith.constant 0 : i32
        %get3A_317 = arith.constant 0 : i32
        %get3A_318 = tpu.memref_slice %arg9[%scan3A_67, %get3A_316, %get3A_317] : memref<2x400x64xi32, #tpu.memory_space<vmem>> -> memref<1x400x64xi32, #tpu.memory_space<vmem>>
        %get3A_319 = tpu.memref_squeeze %get3A_318 : memref<1x400x64xi32, #tpu.memory_space<vmem>> -> memref<400x64xi32, #tpu.memory_space<vmem>>
        %get3A_320 = arith.index_cast %add3A_305 : i32 to index
        %get3A_321 = arith.constant 0 : index
        %get3A_322 = tpu.vector_load %get3A_319[%get3A_320, %get3A_321] {strides = array<i32>} : memref<400x64xi32, #tpu.memory_space<vmem>>, vector<16xi32>,
        %bitcast3A_323 = vector.bitcast %get3A_322 : vector<16xi32> to vector<32xbf16>
        %get3A_324 = arith.constant 0 : i32
        %get3A_325 = arith.constant 0 : i32
        %get3A_326 = tpu.memref_slice %arg8[%scan3A_66, %get3A_324, %get3A_325] : memref<2x400x64xi32, #tpu.memory_space<vmem>> -> memref<1x400x64xi32, #tpu.memory_space<vmem>>
        %get3A_327 = tpu.memref_squeeze %get3A_326 : memref<1x400x64xi32, #tpu.memory_space<vmem>> -> memref<400x64xi32, #tpu.memory_space<vmem>>
        %get3A_328 = arith.index_cast %add3A_305 : i32 to index
        %get3A_329 = arith.constant 16 : index
        %get3A_330 = tpu.vector_load %get3A_327[%get3A_328, %get3A_329] {strides = array<i32>} : memref<400x64xi32, #tpu.memory_space<vmem>>, vector<16xi32>,
        %bitcast3A_331 = vector.bitcast %get3A_330 : vector<16xi32> to vector<32xbf16>
        %get3A_332 = arith.constant 0 : i32
        %get3A_333 = arith.constant 0 : i32
        %get3A_334 = tpu.memref_slice %arg9[%scan3A_67, %get3A_332, %get3A_333] : memref<2x400x64xi32, #tpu.memory_space<vmem>> -> memref<1x400x64xi32, #tpu.memory_space<vmem>>
        %get3A_335 = tpu.memref_squeeze %get3A_334 : memref<1x400x64xi32, #tpu.memory_space<vmem>> -> memref<400x64xi32, #tpu.memory_space<vmem>>
        %get3A_336 = arith.index_cast %add3A_305 : i32 to index
        %get3A_337 = arith.constant 16 : index
        %get3A_338 = tpu.vector_load %get3A_335[%get3A_336, %get3A_337] {strides = array<i32>} : memref<400x64xi32, #tpu.memory_space<vmem>>, vector<16xi32>,
        %bitcast3A_339 = vector.bitcast %get3A_338 : vector<16xi32> to vector<32xbf16>
        %mul3A_340 = arith.mulf %bitcast3A_315, %bitcast3A_323 : vector<32xbf16>
        %mul3A_341 = arith.mulf %bitcast3A_331, %bitcast3A_339 : vector<32xbf16>
        %add3A_342 = arith.addf %mul3A_340, %mul3A_341 : vector<32xbf16>
        %unpack3A_343 = tpu.unpack_subelements %add3A_342, 0 {pack_format = #tpu.pack_format<interleaved>} : vector<32xbf16> -> vector<16xf32>
        %unpack3A_344 = tpu.unpack_subelements %add3A_342, 1 {pack_format = #tpu.pack_format<interleaved>} : vector<32xbf16> -> vector<16xf32>
        %add3A_345 = arith.addf %broadcast_in_dim3A_307, %unpack3A_343 : vector<16xf32>
        %add3A_346 = arith.addf %add3A_345, %unpack3A_344 : vector<16xf32>
        %get3A_347 = arith.constant 0 : i32
        %get3A_348 = arith.constant 0 : i32
        %get3A_349 = tpu.memref_slice %arg8[%scan3A_66, %get3A_347, %get3A_348] : memref<2x400x64xi32, #tpu.memory_space<vmem>> -> memref<1x400x64xi32, #tpu.memory_space<vmem>>
        %get3A_350 = tpu.memref_squeeze %get3A_349 : memref<1x400x64xi32, #tpu.memory_space<vmem>> -> memref<400x64xi32, #tpu.memory_space<vmem>>
        %get3A_351 = arith.index_cast %add3A_305 : i32 to index
        %get3A_352 = arith.constant 32 : index
        %get3A_353 = tpu.vector_load %get3A_350[%get3A_351, %get3A_352] {strides = array<i32>} : memref<400x64xi32, #tpu.memory_space<vmem>>, vector<16xi32>,
        %bitcast3A_354 = vector.bitcast %get3A_353 : vector<16xi32> to vector<32xbf16>
        %get3A_355 = arith.constant 0 : i32
        %get3A_356 = arith.constant 0 : i32
        %get3A_357 = tpu.memref_slice %arg9[%scan3A_67, %get3A_355, %get3A_356] : memref<2x400x64xi32, #tpu.memory_space<vmem>> -> memref<1x400x64xi32, #tpu.memory_space<vmem>>
        %get3A_358 = tpu.memref_squeeze %get3A_357 : memref<1x400x64xi32, #tpu.memory_space<vmem>> -> memref<400x64xi32, #tpu.memory_space<vmem>>
        %get3A_359 = arith.index_cast %add3A_305 : i32 to index
        %get3A_360 = arith.constant 32 : index
        %get3A_361 = tpu.vector_load %get3A_358[%get3A_359, %get3A_360] {strides = array<i32>} : memref<400x64xi32, #tpu.memory_space<vmem>>, vector<16xi32>,
        %bitcast3A_362 = vector.bitcast %get3A_361 : vector<16xi32> to vector<32xbf16>
        %get3A_363 = arith.constant 0 : i32
        %get3A_364 = arith.constant 0 : i32
        %get3A_365 = tpu.memref_slice %arg8[%scan3A_66, %get3A_363, %get3A_364] : memref<2x400x64xi32, #tpu.memory_space<vmem>> -> memref<1x400x64xi32, #tpu.memory_space<vmem>>
        %get3A_366 = tpu.memref_squeeze %get3A_365 : memref<1x400x64xi32, #tpu.memory_space<vmem>> -> memref<400x64xi32, #tpu.memory_space<vmem>>
        %get3A_367 = arith.index_cast %add3A_305 : i32 to index
        %get3A_368 = arith.constant 48 : index
        %get3A_369 = tpu.vector_load %get3A_366[%get3A_367, %get3A_368] {strides = array<i32>} : memref<400x64xi32, #tpu.memory_space<vmem>>, vector<16xi32>,
        %bitcast3A_370 = vector.bitcast %get3A_369 : vector<16xi32> to vector<32xbf16>
        %get3A_371 = arith.constant 0 : i32
        %get3A_372 = arith.constant 0 : i32
        %get3A_373 = tpu.memref_slice %arg9[%scan3A_67, %get3A_371, %get3A_372] : memref<2x400x64xi32, #tpu.memory_space<vmem>> -> memref<1x400x64xi32, #tpu.memory_space<vmem>>
        %get3A_374 = tpu.memref_squeeze %get3A_373 : memref<1x400x64xi32, #tpu.memory_space<vmem>> -> memref<400x64xi32, #tpu.memory_space<vmem>>
        %get3A_375 = arith.index_cast %add3A_305 : i32 to index
        %get3A_376 = arith.constant 48 : index
        %get3A_377 = tpu.vector_load %get3A_374[%get3A_375, %get3A_376] {strides = array<i32>} : memref<400x64xi32, #tpu.memory_space<vmem>>, vector<16xi32>,
        %bitcast3A_378 = vector.bitcast %get3A_377 : vector<16xi32> to vector<32xbf16>
        %mul3A_379 = arith.mulf %bitcast3A_354, %bitcast3A_362 : vector<32xbf16>
        %mul3A_380 = arith.mulf %bitcast3A_370, %bitcast3A_378 : vector<32xbf16>
        %add3A_381 = arith.addf %mul3A_379, %mul3A_380 : vector<32xbf16>
        %unpack3A_382 = tpu.unpack_subelements %add3A_381, 0 {pack_format = #tpu.pack_format<interleaved>} : vector<32xbf16> -> vector<16xf32>
        %unpack3A_383 = tpu.unpack_subelements %add3A_381, 1 {pack_format = #tpu.pack_format<interleaved>} : vector<32xbf16> -> vector<16xf32>
        %add3A_384 = arith.addf %add3A_346, %unpack3A_382 : vector<16xf32>
        %add3A_385 = arith.addf %add3A_384, %unpack3A_383 : vector<16xf32>
        %reduce_sum3A_386 = arith.constant true
        %reduce_sum3A_387 = vector.broadcast %reduce_sum3A_386 : i1 to vector<16xi1>
        %reduce_sum3A_388 = tpu.scan <sum>, %add3A_385 masked %reduce_sum3A_387 : vector<16xf32>, vector<16xi1> -> vector<16xf32>
        %reduce_sum3A_389 = vector.extract %reduce_sum3A_388[15] : f32 from vector<16xf32>
        %eq3A_390 = vector.broadcast %scan3A_302 : i32 to vector<16xi32>
        %eq3A_391 = arith.cmpi eq, %iota3A, %eq3A_390 : vector<16xi32>
        %broadcast_in_dim3A_392 = vector.broadcast %reduce_sum3A_389 : f32 to vector<16xf32>
        %select_n3A_393 = arith.select %eq3A_391, %broadcast_in_dim3A_392, %select_n3A_300 : vector<16xi1>, vector<16xf32>
        %scan3A_394 = arith.constant 3 : i32
        %scan3A_395 = arith.addi %scan3A_121, %scan3A_394 : i32
        %mul3A_396 = arith.constant 16 : i32
        %mul3A_397 = arith.muli %scan3A_107, %mul3A_396 : i32
        %add3A_398 = arith.addi %mul3A_397, %scan3A_395 : i32
        %broadcast_in_dim3A_399 = arith.constant 0.000000e+00 : f32
        %broadcast_in_dim3A_400 = vector.broadcast %broadcast_in_dim3A_399 : f32 to vector<16xf32>
        %get3A_401 = arith.constant 0 : i32
        %get3A_402 = arith.constant 0 : i32
        %get3A_403 = tpu.memref_slice %arg8[%scan3A_66, %get3A_401, %get3A_402] : memref<2x400x64xi32, #tpu.memory_space<vmem>> -> memref<1x400x64xi32, #tpu.memory_space<vmem>>
        %get3A_404 = tpu.memref_squeeze %get3A_403 : memref<1x400x64xi32, #tpu.memory_space<vmem>> -> memref<400x64xi32, #tpu.memory_space<vmem>>
        %get3A_405 = arith.index_cast %add3A_398 : i32 to index
        %get3A_406 = arith.constant 0 : index
        %get3A_407 = tpu.vector_load %get3A_404[%get3A_405, %get3A_406] {strides = array<i32>} : memref<400x64xi32, #tpu.memory_space<vmem>>, vector<16xi32>,
        %bitcast3A_408 = vector.bitcast %get3A_407 : vector<16xi32> to vector<32xbf16>
        %get3A_409 = arith.constant 0 : i32
        %get3A_410 = arith.constant 0 : i32
        %get3A_411 = tpu.memref_slice %arg9[%scan3A_67, %get3A_409, %get3A_410] : memref<2x400x64xi32, #tpu.memory_space<vmem>> -> memref<1x400x64xi32, #tpu.memory_space<vmem>>
        %get3A_412 = tpu.memref_squeeze %get3A_411 : memref<1x400x64xi32, #tpu.memory_space<vmem>> -> memref<400x64xi32, #tpu.memory_space<vmem>>
        %get3A_413 = arith.index_cast %add3A_398 : i32 to index
        %get3A_414 = arith.constant 0 : index
        %get3A_415 = tpu.vector_load %get3A_412[%get3A_413, %get3A_414] {strides = array<i32>} : memref<400x64xi32, #tpu.memory_space<vmem>>, vector<16xi32>,
        %bitcast3A_416 = vector.bitcast %get3A_415 : vector<16xi32> to vector<32xbf16>
        %get3A_417 = arith.constant 0 : i32
        %get3A_418 = arith.constant 0 : i32
        %get3A_419 = tpu.memref_slice %arg8[%scan3A_66, %get3A_417, %get3A_418] : memref<2x400x64xi32, #tpu.memory_space<vmem>> -> memref<1x400x64xi32, #tpu.memory_space<vmem>>
        %get3A_420 = tpu.memref_squeeze %get3A_419 : memref<1x400x64xi32, #tpu.memory_space<vmem>> -> memref<400x64xi32, #tpu.memory_space<vmem>>
        %get3A_421 = arith.index_cast %add3A_398 : i32 to index
        %get3A_422 = arith.constant 16 : index
        %get3A_423 = tpu.vector_load %get3A_420[%get3A_421, %get3A_422] {strides = array<i32>} : memref<400x64xi32, #tpu.memory_space<vmem>>, vector<16xi32>,
        %bitcast3A_424 = vector.bitcast %get3A_423 : vector<16xi32> to vector<32xbf16>
        %get3A_425 = arith.constant 0 : i32
        %get3A_426 = arith.constant 0 : i32
        %get3A_427 = tpu.memref_slice %arg9[%scan3A_67, %get3A_425, %get3A_426] : memref<2x400x64xi32, #tpu.memory_space<vmem>> -> memref<1x400x64xi32, #tpu.memory_space<vmem>>
        %get3A_428 = tpu.memref_squeeze %get3A_427 : memref<1x400x64xi32, #tpu.memory_space<vmem>> -> memref<400x64xi32, #tpu.memory_space<vmem>>
        %get3A_429 = arith.index_cast %add3A_398 : i32 to index
        %get3A_430 = arith.constant 16 : index
        %get3A_431 = tpu.vector_load %get3A_428[%get3A_429, %get3A_430] {strides = array<i32>} : memref<400x64xi32, #tpu.memory_space<vmem>>, vector<16xi32>,
        %bitcast3A_432 = vector.bitcast %get3A_431 : vector<16xi32> to vector<32xbf16>
        %mul3A_433 = arith.mulf %bitcast3A_408, %bitcast3A_416 : vector<32xbf16>
        %mul3A_434 = arith.mulf %bitcast3A_424, %bitcast3A_432 : vector<32xbf16>
        %add3A_435 = arith.addf %mul3A_433, %mul3A_434 : vector<32xbf16>
        %unpack3A_436 = tpu.unpack_subelements %add3A_435, 0 {pack_format = #tpu.pack_format<interleaved>} : vector<32xbf16> -> vector<16xf32>
        %unpack3A_437 = tpu.unpack_subelements %add3A_435, 1 {pack_format = #tpu.pack_format<interleaved>} : vector<32xbf16> -> vector<16xf32>
        %add3A_438 = arith.addf %broadcast_in_dim3A_400, %unpack3A_436 : vector<16xf32>
        %add3A_439 = arith.addf %add3A_438, %unpack3A_437 : vector<16xf32>
        %get3A_440 = arith.constant 0 : i32
        %get3A_441 = arith.constant 0 : i32
        %get3A_442 = tpu.memref_slice %arg8[%scan3A_66, %get3A_440, %get3A_441] : memref<2x400x64xi32, #tpu.memory_space<vmem>> -> memref<1x400x64xi32, #tpu.memory_space<vmem>>
        %get3A_443 = tpu.memref_squeeze %get3A_442 : memref<1x400x64xi32, #tpu.memory_space<vmem>> -> memref<400x64xi32, #tpu.memory_space<vmem>>
        %get3A_444 = arith.index_cast %add3A_398 : i32 to index
        %get3A_445 = arith.constant 32 : index
        %get3A_446 = tpu.vector_load %get3A_443[%get3A_444, %get3A_445] {strides = array<i32>} : memref<400x64xi32, #tpu.memory_space<vmem>>, vector<16xi32>,
        %bitcast3A_447 = vector.bitcast %get3A_446 : vector<16xi32> to vector<32xbf16>
        %get3A_448 = arith.constant 0 : i32
        %get3A_449 = arith.constant 0 : i32
        %get3A_450 = tpu.memref_slice %arg9[%scan3A_67, %get3A_448, %get3A_449] : memref<2x400x64xi32, #tpu.memory_space<vmem>> -> memref<1x400x64xi32, #tpu.memory_space<vmem>>
        %get3A_451 = tpu.memref_squeeze %get3A_450 : memref<1x400x64xi32, #tpu.memory_space<vmem>> -> memref<400x64xi32, #tpu.memory_space<vmem>>
        %get3A_452 = arith.index_cast %add3A_398 : i32 to index
        %get3A_453 = arith.constant 32 : index
        %get3A_454 = tpu.vector_load %get3A_451[%get3A_452, %get3A_453] {strides = array<i32>} : memref<400x64xi32, #tpu.memory_space<vmem>>, vector<16xi32>,
        %bitcast3A_455 = vector.bitcast %get3A_454 : vector<16xi32> to vector<32xbf16>
        %get3A_456 = arith.constant 0 : i32
        %get3A_457 = arith.constant 0 : i32
        %get3A_458 = tpu.memref_slice %arg8[%scan3A_66, %get3A_456, %get3A_457] : memref<2x400x64xi32, #tpu.memory_space<vmem>> -> memref<1x400x64xi32, #tpu.memory_space<vmem>>
        %get3A_459 = tpu.memref_squeeze %get3A_458 : memref<1x400x64xi32, #tpu.memory_space<vmem>> -> memref<400x64xi32, #tpu.memory_space<vmem>>
        %get3A_460 = arith.index_cast %add3A_398 : i32 to index
        %get3A_461 = arith.constant 48 : index
        %get3A_462 = tpu.vector_load %get3A_459[%get3A_460, %get3A_461] {strides = array<i32>} : memref<400x64xi32, #tpu.memory_space<vmem>>, vector<16xi32>,
        %bitcast3A_463 = vector.bitcast %get3A_462 : vector<16xi32> to vector<32xbf16>
        %get3A_464 = arith.constant 0 : i32
        %get3A_465 = arith.constant 0 : i32
        %get3A_466 = tpu.memref_slice %arg9[%scan3A_67, %get3A_464, %get3A_465] : memref<2x400x64xi32, #tpu.memory_space<vmem>> -> memref<1x400x64xi32, #tpu.memory_space<vmem>>
        %get3A_467 = tpu.memref_squeeze %get3A_466 : memref<1x400x64xi32, #tpu.memory_space<vmem>> -> memref<400x64xi32, #tpu.memory_space<vmem>>
        %get3A_468 = arith.index_cast %add3A_398 : i32 to index
        %get3A_469 = arith.constant 48 : index
        %get3A_470 = tpu.vector_load %get3A_467[%get3A_468, %get3A_469] {strides = array<i32>} : memref<400x64xi32, #tpu.memory_space<vmem>>, vector<16xi32>,
        %bitcast3A_471 = vector.bitcast %get3A_470 : vector<16xi32> to vector<32xbf16>
        %mul3A_472 = arith.mulf %bitcast3A_447, %bitcast3A_455 : vector<32xbf16>
        %mul3A_473 = arith.mulf %bitcast3A_463, %bitcast3A_471 : vector<32xbf16>
        %add3A_474 = arith.addf %mul3A_472, %mul3A_473 : vector<32xbf16>
        %unpack3A_475 = tpu.unpack_subelements %add3A_474, 0 {pack_format = #tpu.pack_format<interleaved>} : vector<32xbf16> -> vector<16xf32>
        %unpack3A_476 = tpu.unpack_subelements %add3A_474, 1 {pack_format = #tpu.pack_format<interleaved>} : vector<32xbf16> -> vector<16xf32>
        %add3A_477 = arith.addf %add3A_439, %unpack3A_475 : vector<16xf32>
        %add3A_478 = arith.addf %add3A_477, %unpack3A_476 : vector<16xf32>
        %reduce_sum3A_479 = arith.constant true
        %reduce_sum3A_480 = vector.broadcast %reduce_sum3A_479 : i1 to vector<16xi1>
        %reduce_sum3A_481 = tpu.scan <sum>, %add3A_478 masked %reduce_sum3A_480 : vector<16xf32>, vector<16xi1> -> vector<16xf32>
        %reduce_sum3A_482 = vector.extract %reduce_sum3A_481[15] : f32 from vector<16xf32>
        %eq3A_483 = vector.broadcast %scan3A_395 : i32 to vector<16xi32>
        %eq3A_484 = arith.cmpi eq, %iota3A, %eq3A_483 : vector<16xi32>
        %broadcast_in_dim3A_485 = vector.broadcast %reduce_sum3A_482 : f32 to vector<16xf32>
        %select_n3A_486 = arith.select %eq3A_484, %broadcast_in_dim3A_485, %select_n3A_393 : vector<16xi1>, vector<16xf32>
        scf.yield %select_n3A_486 : vector<16xf32>
      }
      %scan3A_114 = arith.constant 16 : i32
      %mul3A_115 = arith.constant 16 : i32
      %mul3A_116 = arith.muli %scan3A_107, %mul3A_115 : i32
      %swap3A = arith.constant 0 : i32
      %swap3A_117 = tpu.memref_slice %arg10[%scan3A_68, %swap3A] : memref<2x400xf32, #tpu.memory_space<vmem>> -> memref<1x400xf32, #tpu.memory_space<vmem>>
      %swap3A_118 = tpu.memref_squeeze %swap3A_117 : memref<1x400xf32, #tpu.memory_space<vmem>> -> memref<400xf32, #tpu.memory_space<vmem>>
      %swap3A_119 = arith.index_cast %mul3A_116 : i32 to index
      %swap3A_120 = tpu.vector_load %swap3A_118[%swap3A_119] {strides = array<i32>} : memref<400xf32, #tpu.memory_space<vmem>>, vector<16xf32>,
      tpu.vector_store %swap3A_118[%swap3A_119], %scan3A_113 {strides = array<i32>} : memref<400xf32, #tpu.memory_space<vmem>>, vector<16xf32>,
    }
    %scan3A_73 = arith.constant 25 : i32
    %add3A_74 = arith.constant 9600 : i32
    %add3A_75 = arith.addi %mul3A_2, %add3A_74 : i32
    %dma_start3A_76 = arith.constant 0 : i32
    %dma_start3A_77 = arith.constant 0 : i32
    %dma_start3A_78 = tpu.memref_slice %arg10[%dma_start3A_76, %dma_start3A_77] : memref<2x400xf32, #tpu.memory_space<vmem>> -> memref<1x400xf32, #tpu.memory_space<vmem>>
    %dma_start3A_79 = tpu.memref_squeeze %dma_start3A_78 : memref<1x400xf32, #tpu.memory_space<vmem>> -> memref<400xf32, #tpu.memory_space<vmem>>
    %dma_start3A_80 = tpu.memref_slice %arg5[%add3A_75] : memref<320000xf32, #tpu.memory_space<hbm>> -> memref<400xf32, #tpu.memory_space<hbm>>
    %dma_start3A_81 = tpu.memref_slice %arg5[%add3A_75] : memref<320000xf32, #tpu.memory_space<hbm>> -> memref<400xf32, #tpu.memory_space<hbm>>
    %dma_start3A_82 = arith.constant 0 : i32
    %dma_start3A_83 = tpu.memref_slice %arg10[%dma_start3A_76, %dma_start3A_82] : memref<2x400xf32, #tpu.memory_space<vmem>> -> memref<1x400xf32, #tpu.memory_space<vmem>>
    %dma_start3A_84 = tpu.memref_squeeze %dma_start3A_83 : memref<1x400xf32, #tpu.memory_space<vmem>> -> memref<400xf32, #tpu.memory_space<vmem>>
    tpu.enqueue_dma source(%dma_start3A_84 : memref<400xf32, #tpu.memory_space<vmem>>) target(%dma_start3A_81 : memref<400xf32, #tpu.memory_space<hbm>>) target_semaphore(%arg17 : memref<!tpu.dma_semaphore, #tpu.memory_space<semaphore_mem>>)
    %dma_wait3A_85 = arith.constant 0 : i32
    %dma_wait3A_86 = arith.constant 0 : i32
    %dma_wait3A_87 = tpu.memref_slice %arg10[%dma_wait3A_85, %dma_wait3A_86] : memref<2x400xf32, #tpu.memory_space<vmem>> -> memref<1x400xf32, #tpu.memory_space<vmem>>
    %dma_wait3A_88 = tpu.memref_squeeze %dma_wait3A_87 : memref<1x400xf32, #tpu.memory_space<vmem>> -> memref<400xf32, #tpu.memory_space<vmem>>
    %dma_wait3A_89 = arith.constant 0 : i32
    %dma_wait3A_90 = tpu.memref_slice %arg5[%dma_wait3A_89] : memref<320000xf32, #tpu.memory_space<hbm>> -> memref<400xf32, #tpu.memory_space<hbm>>
    %dma_wait3A_91 = arith.constant 0 : i32
    %dma_wait3A_92 = tpu.memref_slice %arg5[%dma_wait3A_91] : memref<320000xf32, #tpu.memory_space<hbm>> -> memref<400xf32, #tpu.memory_space<hbm>>
    %dma_wait3A_93 = arith.constant 0 : i32
    %dma_wait3A_94 = tpu.memref_slice %arg10[%dma_wait3A_85, %dma_wait3A_93] : memref<2x400xf32, #tpu.memory_space<vmem>> -> memref<1x400xf32, #tpu.memory_space<vmem>>
    %dma_wait3A_95 = tpu.memref_squeeze %dma_wait3A_94 : memref<1x400xf32, #tpu.memory_space<vmem>> -> memref<400xf32, #tpu.memory_space<vmem>>
    tpu.wait_dma2 semaphore(%arg17 : memref<!tpu.dma_semaphore, #tpu.memory_space<semaphore_mem>>) src(%dma_wait3A_95 : memref<400xf32, #tpu.memory_space<vmem>>) dst(%dma_wait3A_92 : memref<400xf32, #tpu.memory_space<hbm>>)
    %dma_wait3A_96 = arith.constant 1 : i32
    %dma_wait3A_97 = arith.constant 0 : i32
    %dma_wait3A_98 = tpu.memref_slice %arg10[%dma_wait3A_96, %dma_wait3A_97] : memref<2x400xf32, #tpu.memory_space<vmem>> -> memref<1x400xf32, #tpu.memory_space<vmem>>
    %dma_wait3A_99 = tpu.memref_squeeze %dma_wait3A_98 : memref<1x400xf32, #tpu.memory_space<vmem>> -> memref<400xf32, #tpu.memory_space<vmem>>
    %dma_wait3A_100 = arith.constant 0 : i32
    %dma_wait3A_101 = tpu.memref_slice %arg5[%dma_wait3A_100] : memref<320000xf32, #tpu.memory_space<hbm>> -> memref<400xf32, #tpu.memory_space<hbm>>
    %dma_wait3A_102 = arith.constant 0 : i32
    %dma_wait3A_103 = tpu.memref_slice %arg5[%dma_wait3A_102] : memref<320000xf32, #tpu.memory_space<hbm>> -> memref<400xf32, #tpu.memory_space<hbm>>
    %dma_wait3A_104 = arith.constant 0 : i32
    %dma_wait3A_105 = tpu.memref_slice %arg10[%dma_wait3A_96, %dma_wait3A_104] : memref<2x400xf32, #tpu.memory_space<vmem>> -> memref<1x400xf32, #tpu.memory_space<vmem>>
    %dma_wait3A_106 = tpu.memref_squeeze %dma_wait3A_105 : memref<1x400xf32, #tpu.memory_space<vmem>> -> memref<400xf32, #tpu.memory_space<vmem>>
    tpu.wait_dma2 semaphore(%arg18 : memref<!tpu.dma_semaphore, #tpu.memory_space<semaphore_mem>>) src(%dma_wait3A_106 : memref<400xf32, #tpu.memory_space<vmem>>) dst(%dma_wait3A_103 : memref<400xf32, #tpu.memory_space<hbm>>)
    return
  }
}

</mosaic_0001>

<sc_bundles>
// kernel: kernel.3.cloned.1.call-start
scs
__scs_entry_jumppad:
0x0: {  	(pc) =	sbr.rel $0x88, $3  }
0x1: {  	(tag) =	ssettag $0x0;
	lr =	simm.s32 $0x1  }
0x2: {  	[smem:$0x3F9E] =	sst lr;
	_ =	strace $0xD0000000  }
0x3: {  	_ = 	snop  }
0x4: {  	_ = 	snop  }
0x5: {  	_ = 	snop  }
0x6: {  	_ = 	snop  }
0x7: {  	_ = 	snop  }
__scs_overlays_trampoline_lowered:
0x8: {  	[smem:$0x3FAD] =	sst s0  }
0x9: {  	[smem:$0x3FAE] =	sst s1  }
0xa: {  	[smem:$0x3FAF] =	sst s2  }
0xb: {  	[smem:$0x3FB0] =	sst s3  }
0xc: {  	[smem:$0x3FB1] =	sst s4  }
0xd: {  	[smem:$0x3FB2] =	sst s5  }
0xe: {  	[smem:$0x3FB3] =	sst s6  }
0xf: {  	[smem:$0x3FB4] =	sst s7  }
0x10: {  	[smem:$0x3FB5] =	sst s8  }
0x11: {  	[smem:$0x3FB6] =	sst s9;
	s0 =	simm.s32 @!p0 $0x0  }
0x12: {  	s1 =	sld [smem:$0x3F9C];
	s0 =	simm.s32 @p0 $0x1  }
0x13: {  	[smem:$0x3FB7] =	sst s0;
	s0 =	simm.s32 @!p1 $0x0  }
0x14: {  	s2 =	sld [smem:$0x3F9B];
	s0 =	simm.s32 @p1 $0x1  }
0x15: {  	[smem:$0x3FB8] =	sst s0;
	s0 =	simm.s32 @!p2 $0x0  }
0x16: {  	s3 =	sld [smem:$0x3FDB];
	s0 =	simm.s32 @p2 $0x1  }
0x17: {  	s4 =	simm.s32 $0x1BF5;
	[smem:$0x3FBA] =	sst s0  }
0x18: {  	s0 =	sld [smem:$0x3F9D];
	_ =	swait.ge [sflag:s4], $0x0  }
0x19: {  	s7 =	sld [smem:$0x3F9E]  }
0x1a: {  	s8 =	sadd.s32 $0xFFFFE003, lr  }
0x1b: {  	s9 =	sadd.s32 $0xFFFFFEF7, lr;
	s5 =	simm.s32 $0xFFFFFFFF;
	p2 =	slt.u32 s8, $0xFFFFF086  }
0x1c: {  	p1 =	slt.u32 s9, $0xF7A;
	s5 =	simm.s32 @!p2 $0x0  }
0x1d: {  	s5 =	simm.s32 @p1 $0x1;
	p0 =	seq.s32 s7, s2  }
0x1e: {  	s7 =	smul.u32 @!p0 $0xF7A, s2;
	p2 =	seq.s32 @!p0 s5, $0x0  }
0x1f: {  	s9 =	smul.u32 $0xF7A, s1;
	s8 =	simm.s32 @!p0 $0x1BF5;
	p2 =	por !p2, p0  }
0x20: {  	[sflag:s8] =	ssyncset.s32 @!p0 $0xFFFFF086;
	s6 =	sadd.s32 @!p0 s3, s7;
	s7 =	simm.s32 @!p0 $0x108  }
0x21: {  	s3 =	sadd.s32 s3, s9;
	s6 =	sadd.s32 @!p0 $0x88, s6;
	s7 =	simm.s32 @p2 $0x1082  }
0x22: {  	[simem:s7], [sflag:s8] =	dma.local @!p0 [hbm:s6], $0xF7A  }
0x23: {  	s9 =	sor.u32 $0xD0000000, s2;
	s6 =	simm.s32 $0x108;
	_ =	swait.ge @!p0 [sflag:s8], $0x0  }
0x24: {  	s3 =	sadd.s32 $0x88, s3;
	s6 =	simm.s32 @!p1 $0x1082;
	[sflag:s4] =	ssyncset.s32 $0xFFFFF086  }
0x25: {  	[simem:s6], [sflag:s4] =	dma.local [hbm:s3], $0xF7A  }
0x26: {  	[smem:$0x3F9E] =	sst s1;
	(tag) =	ssettag s2;
	_ =	strace s9  }
0x27: {  	s1 =	sld [smem:$0x3FAE]  }
0x28: {  	s2 =	sld [smem:$0x3FAF]  }
0x29: {  	s4 =	sld [smem:$0x3FB1]  }
0x2a: {  	p0 =	seq.s32 s5, $0x0;
	s5 =	sld [smem:$0x3FB2]  }
0x2b: {  	s6 =	sld [smem:$0x3FB3]  }
0x2c: {  	s7 =	sld [smem:$0x3FB4]  }
0x2d: {  	s3 =	simm.s32 $0x108;
	s8 =	sld [smem:$0x3FB5]  }
0x2e: {  	s3 =	simm.s32 @!p0 $0x1082;
	s9 =	sld [smem:$0x3FB6]  }
0x2f: {  	lr =	sadd.s32 s0, s3;
	s0 =	sld [smem:$0x3FAD]  }
0x30: {  	s3 =	sld [smem:$0x3FB0]  }
0x31: {  	[smem:$0x3FB9] =	sst s10  }
0x32: {  	s10 =	sld [smem:$0x3FB7];
	_ =	sdelay $0x3  }
0x33: {  	p0 =	seq.s32 s10, $0x1;
	s10 =	sld [smem:$0x3FB9];
	_ =	sdelay $0x3  }
0x34: {  	[smem:$0x3FB9] =	sst s10  }
0x35: {  	s10 =	sld [smem:$0x3FB8];
	_ =	sdelay $0x3  }
0x36: {  	p1 =	seq.s32 s10, $0x1;
	s10 =	sld [smem:$0x3FB9];
	_ =	sdelay $0x3  }
0x37: {  	[smem:$0x3FB9] =	sst s10  }
0x38: {  	s10 =	sld [smem:$0x3FBA]  }
0x39: {  	_ = 	snop;
	(pc) =	sbr.ind lr, $3  }
0x3a: {  	_ = 	snop  }
0x3b: {  	_ = 	snop  }
0x3c: {  	p2 =	seq.s32 s10, $0x1;
	s10 =	sld [smem:$0x3FB9]  }
0x3d: {  	_ =	shalt  }
0x3e: {  	_ =	shalt  }
0x3f: {  	_ =	shalt  }
0x40: {  	_ =	shalt  }
0x41: {  	_ =	shalt  }
0x42: {  	_ =	shalt  }
0x43: {  	_ =	shalt  }
0x44: {  	_ =	shalt  }
0x45: {  	_ =	shalt  }
0x46: {  	_ =	shalt  }
0x47: {  	_ =	shalt  }
0x48: {  	_ =	shalt  }
0x49: {  	_ =	shalt  }
0x4a: {  	_ =	shalt  }
0x4b: {  	_ =	shalt  }
0x4c: {  	_ =	shalt  }
0x4d: {  	_ =	shalt  }
0x4e: {  	_ =	shalt  }
0x4f: {  	_ =	shalt  }
0x50: {  	_ =	shalt  }
0x51: {  	_ =	shalt  }
0x52: {  	_ =	shalt  }
0x53: {  	_ =	shalt  }
0x54: {  	_ =	shalt  }
0x55: {  	_ =	shalt  }
0x56: {  	_ =	shalt  }
0x57: {  	_ =	shalt  }
0x58: {  	_ =	shalt  }
0x59: {  	_ =	shalt  }
0x5a: {  	_ =	shalt  }
0x5b: {  	_ =	shalt  }
0x5c: {  	_ =	shalt  }
0x5d: {  	_ =	shalt  }
0x5e: {  	_ =	shalt  }
0x5f: {  	_ =	shalt  }
0x60: {  	_ =	shalt  }
0x61: {  	_ =	shalt  }
0x62: {  	_ =	shalt  }
0x63: {  	_ =	shalt  }
0x64: {  	_ =	shalt  }
0x65: {  	_ =	shalt  }
0x66: {  	_ =	shalt  }
0x67: {  	_ =	shalt  }
0x68: {  	_ =	shalt  }
0x69: {  	_ =	shalt  }
0x6a: {  	_ =	shalt  }
0x6b: {  	_ =	shalt  }
0x6c: {  	_ =	shalt  }
0x6d: {  	_ =	shalt  }
0x6e: {  	_ =	shalt  }
0x6f: {  	_ =	shalt  }
0x70: {  	_ =	shalt  }
0x71: {  	_ =	shalt  }
0x72: {  	_ =	shalt  }
0x73: {  	_ =	shalt  }
0x74: {  	_ =	shalt  }
0x75: {  	_ =	shalt  }
0x76: {  	_ =	shalt  }
0x77: {  	_ =	shalt  }
0x78: {  	_ =	shalt  }
0x79: {  	_ =	shalt  }
0x7a: {  	_ =	shalt  }
0x7b: {  	_ =	shalt  }
0x7c: {  	_ =	shalt  }
0x7d: {  	_ =	shalt  }
0x7e: {  	_ =	shalt  }
0x7f: {  	_ =	shalt  }
0x80: {  	_ =	shalt  }
0x81: {  	_ =	shalt  }
0x82: {  	_ =	shalt  }
0x83: {  	_ =	shalt  }
0x84: {  	_ =	shalt  }
0x85: {  	_ =	shalt  }
0x86: {  	_ =	shalt  }
0x87: {  	_ =	shalt  }
.Lfunc_end0:
.L_simem_size_0:
called_computation_lowered:
.L_overlay_start_0:
0x88: {  	s2 =	sld [smem:$0x3FD9]  }
0x89: {  	s3 =	sld [smem:$0x3FFE];
	_ =	sdelay $0x1  }
0x8a: {  	s1 =	srdreg.scid  }
0x8b: {  	s0 =	sand.u32 $0x1, s1  }
0x8c: {  	s17 =	sshll.u32 s0, $0xA;
	s2 =	sadd.s32 s3, s2  }
0x8d: {  	s2 =	sadd.s32 s2, s17  }
0x8e: {  	[smem:$0x3FC5] =	sst s2  }
0x8f: {  	_ = 	snop  }
0x90: {  	s2 =	sld [smem:$0x3FC8]  }
0x91: {  	s18 =	sld [smem:$0x3FC7]  }
0x92: {  	s4 =	sld [smem:$0x3FD0];
	(tm) =	ssettm $0x1  }
0x93: {  	s5 =	sld [smem:$0x3FFB];
	_ =	sdelay $0x3  }
0x94: {  	_ =	strace s5  }
0x95: {  	s5 =	sld [smem:$0x3FFC];
	_ =	sdelay $0x3  }
0x96: {  	_ =	strace s5  }
0x97: {  	s5 =	sld [smem:$0x3FFD];
	_ =	sdelay $0x3  }
0x98: {  	_ =	strace s5  }
0x99: {  	_ =	strace $0x8FFFFFFF  }
0x9a: {  	s19 =	sld [smem:$0x3FDB];
	_ =	sdelay $0x1  }
0x9b: {  	s6 =	simm.s32 $_scs_section_size  }
0x9c: {  	s7 =	simm.s32 $_size__tile_overlayer_lowered;
	s8 =	simm.s32 $_tile_overlayer_lowered  }
0x9d: {  	s22 =	simm.s32 $0x1BFF;
	s21 =	sshll.u32 s8, $0x1;
	s5 =	sadd.s32 s6, s19  }
0x9e: {  	s9 =	simm.s32 $0x0;
	s20 =	sshll.u32 s7, $0x1;
	s7 =	sadd.s32 s21, s5  }
0x9f: {  	[timem:s9], [sflag:s22] =	dma.local [hbm:s7], s20  }
0xa0: {  	_ =	swait.ge [sflag:s22], s20  }
0xa1: {  	s6 =	ssub.s32 $0x0, s20;
	[sflag:s22] =	ssyncset.done $0x0  }
0xa2: {  	[sflag:s22] =	ssyncadd.s32 s6;
	_ =	sdelay $0x1  }
0xa3: {  	s23 =	simm.s32 $0x1B8B  }
0xa4: {  	_ =	swait.ge [sflag:s23], $0x1  }
0xa5: {  	[sflag:s23] =	ssyncset.done $0x0  }
0xa6: {  	s25 =	simm.s32 $0x1B8E;
	s24 =	sld [smem:$0x3FFE];
	[sflag:s23] =	ssyncadd.s32 $0xFFFFFFFF  }
0xa7: {  	s26 =	simm.s32 $execute0_lowered;
	[smem:$0x3FD2] =	sst s25  }
0xa8: {  	s7 =	sshll.u32 s26, $0x1;
	_ =	strace $0x80000046;
	[dreg:$0x1] =	wrdreg $0xFFFFFFFF  }
0xa9: {  	s28 =	simm.s32 $_size_execute0_lowered;
	s5 =	sadd.s32 s5, s7;
	[dreg:$0x0] =	wrdreg $0x0  }
0xaa: {  	s7 =	sshll.u32 s28, $0x1;
	[dreg:$0x2] =	wrdreg s5  }
0xab: {  	[dreg:$0x3] =	wrdreg s7  }
0xac: {  	[dreg:$0x4] =	wrdreg $0xC0  }
0xad: {  	_ =	task [dreg:s9], $0x5FFFF  }
0xae: {  	[dreg:$0x1] =	wrdreg $0xFFFFFFFF  }
0xaf: {  	[dreg:$0x0] =	wrdreg $0x60  }
0xb0: {  	[dreg:$0x2] =	wrdreg s24  }
0xb1: {  	[dreg:$0x3] =	wrdreg s2  }
0xb2: {  	[dreg:$0x4] =	wrdreg s18  }
0xb3: {  	[dreg:$0x5] =	wrdreg s4  }
0xb4: {  	[dreg:$0x6] =	wrdreg $0x9  }
0xb5: {  	_ =	task.clear_ibuf [dreg:s9], $0x7FFFF;
	_ =	strace $0x90000046  }
0xb6: {  	s29 =	simm.s32 $0x9;
	_ =	strace $0x80000048  }
0xb7: {  	_ =	swait.ge [sflag:s29], $0x1  }
0xb8: {  	[sflag:s29] =	ssyncadd.s32 $0xFFFFFFFF  }
0xb9: {  	_ =	strace $0x90000048  }
0xba: {  	_ =	sfence  }
0xbb: {  	s30 =	sld [smem:$0x0];
	_ =	sdelay $0x2  }
0xbc: {  	s31 =	sshll.u32 s1, $0xD;
	s1 =	sshrl.u32 s1, $0x2  }
0xbd: {  	s3 =	sand.u32 $0x4000, s31;
	s1 =	sadd.s32 s1, s30  }
0xbe: {  	s0 =	sor.u32 s3, s0;
	s1 =	sshll.u32 s1, $0x11  }
0xbf: {  	s0 =	sor.u32 s1, s0  }
0xc0: {  	s0 =	sadd.s32 $0x8F2B, s0  }
0xc1: {  	[sflag:s0] =	ssyncadd.remote.s32 $0x1  }
0xc2: {  	_ =	sfence.sel $0xFFFF  }
0xc3: {  	[dreg:$0x0] =	wrdreg $0xFFFFFFFF;
	(pc) =	sbr.abs _section_cstart, $3  }
0xc4: {  	[dreg:$0x1] =	wrdreg $0xFFFFFFFF  }
0xc5: {  	_ =	task.clear_ibuf [dreg:s9], $0x2FFFF;
	_ =	strace $0x9FFFFFFF  }
0xc6: {  	(tm) =	ssettm $0x7FFFFFFF  }
0xc7: {  	_ =	shalt  }
tec
execute0_lowered:
.L_overlay_start_1:
0x0: {  	(tag) =	ssettag $0x1  }
0x1: {  	s0 =	rddreg [dreg:$0x0]  }
0x2: {  	s1 =	rddreg [dreg:$0x1];
	s2 =	srdreg.scid  }
0x3: {  	s3 =	stileid.u32;
	s6 =	rddreg [dreg:$0x2];
	s13 =	simm.s32 $0x190  }
0x4: {  	s14 =	simm.s32 $0x4E20;
	s15 =	simm.s32 $0x11620;
	s16 =	simm.s32 $0xB220  }
0x5: {  	s17 =	simm.s32 $0x17A20;
	s18 =	simm.s32 $0x3;
	s19 =	simm.s32 $0x4  }
0x6: {  	s20 =	simm.s32 $0x1DE20;
	s21 =	simm.s32 $0x5;
	s22 =	simm.s32 $0x6  }
0x7: {  	s23 =	simm.s32 $0x1DFB0;
	s5 =	sand.u32 $0x1, s2;
	s3 =	sshll.u32 s3, $0x1  }
0x8: {  	s24 =	simm.s32 $0x7;
	s4 =	sor.u32 s5, s3;
	s7 =	ssub.s32 $0x2, s5  }
0x9: {  	s2 =	rddreg [dreg:$0x3];
	s4 =	smul.u32 $0x2710, s4;
	s8 =	sshrl.u32 s7, $0x1  }
0xa: {  	s3 =	simm.s32 $0x0;
	s5 =	sadd.s32 $0x400, s0;
	s26 =	ssub.s32 s7, s8  }
0xb: {  	[smem:$0x7FF] =	sst s3;
	s9 =	sshrl.u32 s4, $0x3;
	s0 =	smax.u32 s26, $0x1  }
0xc: {  	_ =	strace $0x80000047;
	s1 =	sadd.s32 s1, s9;
	[dreg:$0x8] =	wrdreg s0  }
0xd: {  	s28 =	sadd.s32 s2, s9;
	s29 =	sadd.s32 s6, s9;
	[dreg:$0x5] =	wrdreg s1  }
0xe: {  	s25 =	simm.s32 $0x8;
	[dreg:$0x6] =	wrdreg s29;
	s30 =	sadd.s32 $0x4B0, s28  }
0xf: {  	v0 =	vlaneseq.u32;
	s31 =	simm.s32 $0x0;
	s26 =	simm.s32 $0x0;
	[dreg:$0x7] =	wrdreg s30  }
.LBB2_1:
0x10: {  	s0 =	rddreg [dreg:$0x5]  }
0x11: {  	[tilespmem:s3], [sflag:$0x1] =	stream.linear.gather [hbm4b:s0+s3], $0x2710, $0x38;
	[tilespmem:$0x1E140] =	vst v63  }
0x12: {  	s12 =	rddreg [dreg:$0x6];
	s1 =	simm.s32 $0x2710;
	s29 =	simm.s32 $0x1  }
0x13: {  	[tilespmem:s1], [sflag:$0x2] =	stream.linear.gather [hbm4b:s12+s3], $0x2710, $0x38;
	[tilespmem:$0x1E140] =	vst v63  }
0x14: {  	_ =	swait.ge [sflag:s29], $0x2710  }
0x15: {  	[sflag:s29] =	ssyncset.done $0x0  }
0x16: {  	s30 =	simm.s32 $0x2;
	[sflag:s29] =	ssyncadd.s32 $0xFFFFD8F0  }
0x17: {  	_ =	swait.ge [sflag:s30], $0x2710  }
0x18: {  	[sflag:s30] =	ssyncset.done $0x0  }
0x19: {  	[sflag:s30] =	ssyncadd.s32 $0xFFFFD8F0  }
0x1a: {  	[tilespmem:s14], [sflag:$0x3] =	stream.indirect.gather [hbm4b:s5+s13], $0x40, s3, s13, $0xb8;
	[tilespmem:$0x1E140] =	vst v63  }
0x1b: {  	s28 =	simm.s32 $0x0  }
0x1c: {  	[tilespmem:s15], [sflag:$0x4] =	stream.indirect.gather [hbm4b:s5+s13], $0x40, s1, s13, $0xb8;
	[tilespmem:$0x1E140] =	vst v63  }
.LBB2_2:
0x1d: {  	s30 =	smul.u32 $0x320, s28;
	_ =	sdelay $0x1  }
0x1e: {  	s29 =	sadd.s32 $0x190, s30  }
0x1f: {  	[tilespmem:s16], [sflag:$0x5] =	stream.indirect.gather [hbm4b:s5+s13], $0x40, s29, s13, $0xb8;
	[tilespmem:$0x1E140] =	vst v63  }
0x20: {  	s0 =	sadd.s32 $0x28A0, s30  }
0x21: {  	[tilespmem:s17], [sflag:$0x6] =	stream.indirect.gather [hbm4b:s5+s13], $0x40, s0, s13, $0xb8;
	[tilespmem:$0x1E140] =	vst v63  }
0x22: {  	_ =	swait.ge [sflag:s18], $0x6400  }
0x23: {  	[sflag:s18] =	ssyncset.done $0x0  }
0x24: {  	[sflag:s18] =	ssyncadd.s32 $0xFFFF9C00  }
0x25: {  	_ =	swait.ge [sflag:s19], $0x6400  }
0x26: {  	p0 =	seq.s32 s28, $0x0;
	[sflag:s19] =	ssyncset.done $0x0  }
0x27: {  	s0 =	simm.s32 @!p0 $0x7;
	[sflag:s19] =	ssyncadd.s32 $0xFFFF9C00  }
0x28: {  	_ =	swait.ge @!p0 [sflag:s0], $0x190  }
0x29: {  	s1 =	simm.s32 $0x116A0;
	[sflag:s0] =	ssyncset.done @!p0 $0x0  }
0x2a: {  	s10 =	simm.s32 $0x0;
	[sflag:s0] =	ssyncadd.s32 @!p0 $0xFFFFFE70;
	s0 =	simm.s32 $0x4EA0  }
.LBB2_3:
0x2b: {  	v1 =	vld [tilespmem:s0+$0x60]  }
0x2c: {  	v2 =	vld [tilespmem:s1+$0x60]  }
0x2d: {  	v3 =	vld [tilespmem:s0+$0x70]  }
0x2e: {  	v4 =	vld [tilespmem:s1+$0x70]  }
0x2f: {  	v5 =	vld [tilespmem:s0+$0x20]  }
0x30: {  	v6 =	vld [tilespmem:s1+$0x20]  }
0x31: {  	v7 =	vld [tilespmem:s0+$0x30]  }
0x32: {  	v8 =	vld [tilespmem:s1+$0x30]  }
0x33: {  	v9 =	vld [tilespmem:s0+$0xFFFFFFE0]  }
0x34: {  	v10 =	vld [tilespmem:s1+$0xFFFFFFE0]  }
0x35: {  	v11 =	vld [tilespmem:s0+$0xFFFFFFF0]  }
0x36: {  	v12 =	vld [tilespmem:s1+$0xFFFFFFF0]  }
0x37: {  	v13 =	vld [tilespmem:s0+$0xFFFFFFA0]  }
0x38: {  	v14 =	vld [tilespmem:s1+$0xFFFFFFA0]  }
0x39: {  	v15 =	vld [tilespmem:s0+$0xFFFFFFB0]  }
0x3a: {  	v16 =	vld [tilespmem:s1+$0xFFFFFFB0]  }
0x3b: {  	v17 =	vld [tilespmem:s0+$0x40]  }
0x3c: {  	v18 =	vld [tilespmem:s1+$0x40]  }
0x3d: {  	v19 =	vld [tilespmem:s0+$0x50]  }
0x3e: {  	v20 =	vld [tilespmem:s1+$0x50]  }
0x3f: {  	v21 =	vld [tilespmem:s0+$0x0]  }
0x40: {  	v22 =	vld [tilespmem:s1+$0x0]  }
0x41: {  	v23 =	vld [tilespmem:s0+$0x10]  }
0x42: {  	v24 =	vld [tilespmem:s1+$0x10]  }
0x43: {  	v25 =	vld [tilespmem:s0+$0xFFFFFFC0]  }
0x44: {  	v26 =	vld [tilespmem:s1+$0xFFFFFFC0]  }
0x45: {  	v27 =	vld [tilespmem:s0+$0xFFFFFFD0]  }
0x46: {  	v28 =	vld [tilespmem:s1+$0xFFFFFFD0]  }
0x47: {  	v1 =	vmul.bf16 v2, v1;
	v2 =	vld [tilespmem:s0+$0xFFFFFF80]  }
0x48: {  	v5 =	vmul.bf16 v6, v5;
	v3 =	vmul.bf16 v4, v3;
	v4 =	vld [tilespmem:s1+$0xFFFFFF80]  }
0x49: {  	v6 =	vmul.bf16 v22, v21;
	v21 =	vld [tilespmem:s0+$0xFFFFFF90];
	v22 =	vmul.bf16 v24, v23  }
0x4a: {  	s8 =	sadd.s32 $0x100, s0;
	v9 =	vmul.bf16 v10, v9;
	v7 =	vmul.bf16 v8, v7;
	v8 =	vld [tilespmem:s1+$0xFFFFFF90]  }
0x4b: {  	s6 =	sadd.s32 $0x100, s1;
	v63 =	vld [tilespmem:s8+$0xFFFFFFA0];
	v10 =	vmul.bf16 v12, v11;
	v11 =	vmul.bf16 v14, v13  }
0x4c: {  	v29 =	vld [tilespmem:s6+$0xFFFFFFA0];
	v12 =	vmul.bf16 v26, v25;
	v15 =	vmul.bf16 v16, v15;
	v6 =	vadd.bf16 v22, v6  }
0x4d: {  	v30 =	vld [tilespmem:s6+$0x0];
	v17 =	vmul.bf16 v18, v17;
	v22 =	vmul.bf16 v28, v27;
	v5 =	vadd.bf16 v7, v5  }
0x4e: {  	v31 =	vld [tilespmem:s8+$0x10];
	v7 =	vmul.bf16 v20, v19;
	v16 =	vunpack.i.l.bf16.f32 v6;
	v2 =	vmul.bf16 v4, v2  }
0x4f: {  	v32 =	vld [tilespmem:s6+$0x10];
	v4 =	vadd.bf16 v22, v12;
	v12 =	vadd.f32 $0.0e+00, v16;
	v8 =	vmul.bf16 v8, v21  }
0x50: {  	v13 =	vld [tilespmem:s8+$0x60];
	v9 =	vadd.bf16 v10, v9;
	v1 =	vadd.bf16 v3, v1;
	v6 =	vunpack.i.u.bf16.f32 v6  }
0x51: {  	v14 =	vld [tilespmem:s6+$0x60];
	v16 =	vunpack.i.l.bf16.f32 v4;
	v6 =	vadd.f32 v12, v6;
	v2 =	vadd.bf16 v8, v2  }
0x52: {  	v23 =	vld [tilespmem:s8+$0x70];
	v7 =	vadd.bf16 v7, v17;
	v12 =	vunpack.i.l.bf16.f32 v5;
	v8 =	vadd.f32 $0.0e+00, v16  }
0x53: {  	v18 =	vld [tilespmem:s6+$0x70];
	v4 =	vunpack.i.u.bf16.f32 v4;
	v6 =	vadd.f32 v12, v6;
	v12 =	vunpack.i.l.bf16.f32 v2  }
0x54: {  	v24 =	vld [tilespmem:s6+$0x30];
	v5 =	vunpack.i.u.bf16.f32 v5;
	v4 =	vadd.f32 v8, v4;
	v8 =	vadd.f32 $0.0e+00, v12  }
0x55: {  	v25 =	vld [tilespmem:s6+$0xFFFFFFE0];
	v2 =	vunpack.i.u.bf16.f32 v2;
	v5 =	vadd.f32 v6, v5;
	v6 =	vadd.bf16 v15, v11  }
0x56: {  	v26 =	vld [tilespmem:s8+$0xFFFFFFF0];
	v12 =	vunpack.i.l.bf16.f32 v9;
	v2 =	vadd.f32 v8, v2;
	v8 =	vunpack.i.l.bf16.f32 v7  }
0x57: {  	v19 =	vld [tilespmem:s6+$0x20];
	v4 =	vadd.f32 v12, v4;
	v11 =	vunpack.i.l.bf16.f32 v6;
	v8 =	vadd.f32 $0.0e+00, v8  }
0x58: {  	v10 =	vld [tilespmem:s8+$0xFFFFFFE0];
	v9 =	vunpack.i.u.bf16.f32 v9;
	v7 =	vunpack.i.u.bf16.f32 v7;
	v2 =	vadd.f32 v11, v2  }
0x59: {  	v27 =	vld [tilespmem:s6+$0xFFFFFFF0];
	v6 =	vunpack.i.u.bf16.f32 v6;
	v4 =	vadd.f32 v4, v9;
	v8 =	vadd.f32 v8, v7  }
0x5a: {  	v3 =	vld [tilespmem:s8+$0xFFFFFFB0];
	(xrf2) =	vadd.scan.msk.f32 $0xffff, v5;
	v5 =	vunpack.i.l.bf16.f32 v1;
	v2 =	vadd.f32 v2, v6  }
0x5b: {  	v21 =	vld [tilespmem:s8+$0x30];
	(xrf2) =	vadd.scan.msk.f32 $0xffff, v4;
	v8 =	vadd.f32 v5, v8  }
0x5c: {  	v20 =	vld [tilespmem:s6+$0xFFFFFFD0];
	v1 =	vunpack.i.u.bf16.f32 v1;
	(xrf2) =	vadd.scan.msk.f32 $0xffff, v2  }
0x5d: {  	v17 =	vld [tilespmem:s8+$0xFFFFFFD0];
	v1 =	vadd.f32 v8, v1  }
0x5e: {  	v22 =	vld [tilespmem:s8+$0x20]  }
0x5f: {  	v16 =	vld [tilespmem:s6+$0xFFFFFFC0];
	(xrf2) =	vadd.scan.msk.f32 $0xffff, v1  }
0x60: {  	v15 =	vmul.bf16 v24, v21;
	v24 =	vld [tilespmem:s6+$0xFFFFFF90]  }
0x61: {  	v9 =	vld [tilespmem:s8+$0x0]  }
0x62: {  	s7 =	simm.s32 $0x3;
	v12 =	vld [tilespmem:s8+$0xFFFFFFC0]  }
0x63: {  	v34 =	vmov s7;
	v11 =	vmul.bf16 v19, v22;
	v19 =	vld [tilespmem:s8+$0xFFFFFF80]  }
0x64: {  	v33 =	vimm.f32 $0.0e+00;
	vm0 =	veq.s32 v34, v0;
	v7 =	vld [tilespmem:s6+$0xFFFFFFB0];
	v2 =	vmov s31;
	v35, _, _ =	vpop (xrf2)  }
0x65: {  	s12 =	simm.s32 $0x1;
	v10 =	vmul.bf16 v25, v10;
	v4 =	vld [tilespmem:s8+$0x40];
	vm2 =	veq.s32 v2, v0;
	v2 =	vmul.bf16 v18, v23;
	v36, _, _ =	vpop (xrf2)  }
0x66: {  	v6 =	vld [tilespmem:s6+$0x40];
	v18 =	vmov s12;
	v25 =	vmul.bf16 v30, v9;
	v1 =	vmul.bf16 v14, v13;
	v21, _, _ =	vpop (xrf2)  }
0x67: {  	s9 =	simm.s32 $0x2;
	v5 =	vld [tilespmem:s8+$0x50];
	vm3 =	veq.s32 v18, v0;
	v14 =	vmul.bf16 v27, v26;
	v21 =	vbroadcast v21, $0xF  }
0x68: {  	v8 =	vld [tilespmem:s6+$0x50];
	v13 =	vmov s9;
	v26 =	vmul.bf16 v32, v31;
	v18 =	vbroadcast v36, $0xF  }
0x69: {  	v22 =	vld [tilespmem:s6+$0xFFFFFF80];
	vm1 =	veq.s32 v13, v0;
	v9 =	vbroadcast v35, $0xF;
	v21 =	vsel vm2, v21, v33;
	v27, _, _ =	vpop (xrf2)  }
0x6a: {  	s7 =	simm.s32 $0x4;
	v23 =	vld [tilespmem:s8+$0xFFFFFF90];
	s8 =	sadd.s32 $0x100, s8;
	s9 =	simm.s32 $0x8;
	v13 =	vmul.bf16 v29, v63;
	v21 =	vsel vm3, v18, v21;
	v18 =	vbroadcast v27, $0xF  }
.LBB2_4:
0x6b: {  	v27 =	vld [tilespmem:s8+$0x60];
	p1 =	slt.u32 s9, $0xC;
	v3 =	vmul.bf16 v7, v3;
	v7 =	vadd.bf16 v26, v25;
	s6 =	sadd.s32 $0x100, s6;
	v9 =	vsel vm1, v9, v21  }
0x6c: {  	v12 =	vmul.bf16 v16, v12;
	v16 =	vmul.bf16 v20, v17;
	v21 =	vld [tilespmem:s6+$0x60];
	v9 =	vsel vm0, v18, v9  }
0x6d: {  	v4 =	vmul.bf16 v6, v4;
	v5 =	vmul.bf16 v8, v5;
	v18 =	vld [tilespmem:s8+$0x70];
	v17 =	vunpack.i.l.bf16.f32 v7  }
0x6e: {  	v6 =	vmul.bf16 v22, v19;
	v8 =	vadd.bf16 v16, v12;
	v20 =	vld [tilespmem:s6+$0x70];
	v12 =	vadd.f32 $0.0e+00, v17  }
0x6f: {  	v11 =	vadd.bf16 v15, v11;
	v7 =	vunpack.i.u.bf16.f32 v7;
	v19 =	vld [tilespmem:s8+$0x20];
	v16 =	vmul.bf16 v24, v23  }
0x70: {  	v10 =	vadd.bf16 v14, v10;
	v17 =	vunpack.i.l.bf16.f32 v8;
	v15 =	vld [tilespmem:s6+$0x20];
	v7 =	vadd.f32 v12, v7  }
0x71: {  	v12 =	vadd.f32 $0.0e+00, v17;
	v14 =	vld [tilespmem:s8+$0x30];
	v6 =	vadd.bf16 v16, v6;
	v16 =	vunpack.i.l.bf16.f32 v11  }
0x72: {  	v4 =	vadd.bf16 v5, v4;
	v8 =	vunpack.i.u.bf16.f32 v8;
	v22 =	vld [tilespmem:s6+$0x30];
	v7 =	vadd.f32 v16, v7  }
0x73: {  	v11 =	vunpack.i.u.bf16.f32 v11;
	v8 =	vadd.f32 v12, v8;
	v23 =	vld [tilespmem:s8+$0xFFFFFFE0];
	v5 =	vunpack.i.l.bf16.f32 v6  }
0x74: {  	v12 =	vunpack.i.l.bf16.f32 v10;
	v24 =	vld [tilespmem:s6+$0xFFFFFFE0];
	v5 =	vadd.f32 $0.0e+00, v5;
	v7 =	vadd.f32 v7, v11  }
0x75: {  	v6 =	vunpack.i.u.bf16.f32 v6;
	v11 =	vadd.bf16 v3, v13;
	v3 =	vadd.f32 v12, v8;
	v25 =	vld [tilespmem:s8+$0xFFFFFFF0]  }
0x76: {  	v8 =	vunpack.i.l.bf16.f32 v4;
	v13 =	vld [tilespmem:s6+$0xFFFFFFF0];
	v5 =	vadd.f32 v5, v6;
	v6 =	vunpack.i.u.bf16.f32 v10;
	(xrf2) =	vadd.scan.msk.f32 $0xffff, v7  }
0x77: {  	v8 =	vadd.f32 $0.0e+00, v8;
	v7 =	vunpack.i.l.bf16.f32 v11;
	v28 =	vld [tilespmem:s8+$0xFFFFFFA0];
	v6 =	vadd.f32 v3, v6  }
0x78: {  	v1 =	vadd.bf16 v2, v1;
	v4 =	vunpack.i.u.bf16.f32 v4;
	v29 =	vld [tilespmem:s6+$0xFFFFFFA0];
	v5 =	vadd.f32 v7, v5  }
0x79: {  	v2 =	vunpack.i.u.bf16.f32 v11;
	v8 =	vadd.f32 v8, v4;
	v3 =	vld [tilespmem:s8+$0xFFFFFFB0];
	(xrf2) =	vadd.scan.msk.f32 $0xffff, v6  }
0x7a: {  	v7 =	vld [tilespmem:s6+$0xFFFFFFB0];
	v2 =	vadd.f32 v5, v2;
	v5 =	vunpack.i.l.bf16.f32 v1  }
0x7b: {  	v4 =	vld [tilespmem:s8+$0x40];
	v8 =	vadd.f32 v5, v8  }
0x7c: {  	v1 =	vunpack.i.u.bf16.f32 v1;
	v6 =	vld [tilespmem:s6+$0x40];
	(xrf2) =	vadd.scan.msk.f32 $0xffff, v2  }
0x7d: {  	v5 =	vld [tilespmem:s8+$0x50];
	v1 =	vadd.f32 v8, v1  }
0x7e: {  	v8 =	vld [tilespmem:s6+$0x50]  }
0x7f: {  	v26 =	vld [tilespmem:s8+$0x0];
	(xrf2) =	vadd.scan.msk.f32 $0xffff, v1  }
0x80: {  	v30 =	vld [tilespmem:s6+$0x0];
	v31, _, _ =	vpop (xrf2)  }
0x81: {  	v32 =	vld [tilespmem:s8+$0x10]  }
0x82: {  	s11 =	sadd.s32 $0x3, s7;
	v33 =	vld [tilespmem:s6+$0x10]  }
0x83: {  	s12 =	sadd.s32 $0x2, s7;
	v34 =	vmov s11;
	v2 =	vmov s7;
	v12 =	vld [tilespmem:s8+$0xFFFFFFC0];
	v35, _, _ =	vpop (xrf2)  }
0x84: {  	s11 =	sadd.s32 $0x1, s7;
	s7 =	smov.u32 s9;
	vm2 =	veq.s32 v2, v0;
	v1 =	vmul.bf16 v21, v27;
	v21 =	vmov s12;
	v16 =	vld [tilespmem:s6+$0xFFFFFFC0]  }
0x85: {  	v11 =	vmul.bf16 v15, v19;
	v2 =	vmul.bf16 v20, v18;
	v18 =	vmov s11;
	v17 =	vld [tilespmem:s8+$0xFFFFFFD0]  }
.Ltmp0:
0x86: {  	vm0 =	veq.s32 v34, v0;
	v15 =	vmul.bf16 v22, v14;
	v10 =	vmul.bf16 v24, v23;
	v20 =	vld [tilespmem:s6+$0xFFFFFFD0];
	v22, _, _ =	vpop (xrf2);
	(pc) =	sbr.rel @p1 .LBB2_4-.Ltmp0, $4  }
0x87: {  	v14 =	vmul.bf16 v13, v25;
	vm1 =	veq.s32 v21, v0;
	v19 =	vld [tilespmem:s8+$0xFFFFFF80];
	v13 =	vbroadcast v22, $0xF  }
0x88: {  	vm3 =	veq.s32 v18, v0;
	v18 =	vbroadcast v35, $0xF;
	v25 =	vmul.bf16 v30, v26;
	v22 =	vld [tilespmem:s6+$0xFFFFFF80]  }
0x89: {  	v26 =	vmul.bf16 v33, v32;
	v23 =	vld [tilespmem:s8+$0xFFFFFF90];
	v21 =	vsel vm2, v13, v9;
	v9 =	vbroadcast v31, $0xF;
	v27, _, _ =	vpop (xrf2)  }
0x8a: {  	s9 =	sadd.s32 $0x4, s9;
	v13 =	vmul.bf16 v29, v28;
	s8 =	sadd.s32 $0x100, s8;
	v24 =	vld [tilespmem:s6+$0xFFFFFF90];
	v21 =	vsel vm3, v18, v21;
	v18 =	vbroadcast v27, $0xF  }
0x8b: {  	_ = 	snop  }
0x8c: {  	v25 =	vadd.bf16 v26, v25;
	v12 =	vmul.bf16 v16, v12;
	v46 =	vmul.bf16 v20, v17  }
0x8d: {  	v3 =	vmul.bf16 v7, v3;
	v4 =	vmul.bf16 v6, v4;
	v11 =	vadd.bf16 v15, v11  }
0x8e: {  	v5 =	vmul.bf16 v8, v5;
	v10 =	vadd.bf16 v14, v10;
	v1 =	vadd.bf16 v2, v1  }
0x8f: {  	v47 =	vunpack.i.l.bf16.f32 v25;
	v48 =	vmul.bf16 v22, v19;
	v49 =	vmul.bf16 v24, v23  }
0x90: {  	v12 =	vadd.bf16 v46, v12;
	v50 =	vunpack.i.u.bf16.f32 v25;
	v15 =	vunpack.i.l.bf16.f32 v11  }
0x91: {  	v4 =	vadd.bf16 v5, v4;
	v11 =	vunpack.i.u.bf16.f32 v11;
	v6 =	vadd.bf16 v49, v48  }
0x92: {  	v53 =	vunpack.i.l.bf16.f32 v10;
	v7 =	vadd.f32 $0.0e+00, v47;
	v51 =	vunpack.i.l.bf16.f32 v12  }
0x93: {  	v3 =	vadd.bf16 v3, v13;
	v8 =	vadd.f32 $0.0e+00, v51;
	v52 =	vunpack.i.l.bf16.f32 v6  }
0x94: {  	v12 =	vunpack.i.u.bf16.f32 v12;
	v7 =	vadd.f32 v7, v50;
	v5 =	vadd.f32 $0.0e+00, v52  }
0x95: {  	v10 =	vunpack.i.u.bf16.f32 v10;
	v8 =	vadd.f32 v8, v12;
	v6 =	vunpack.i.u.bf16.f32 v6  }
0x96: {  	v54 =	vunpack.i.l.bf16.f32 v4;
	v7 =	vadd.f32 v15, v7;
	v5 =	vadd.f32 v5, v6  }
0x97: {  	v55 =	vunpack.i.l.bf16.f32 v3;
	v8 =	vadd.f32 v53, v8;
	v6 =	vadd.f32 $0.0e+00, v54  }
0x98: {  	v4 =	vunpack.i.u.bf16.f32 v4;
	v7 =	vadd.f32 v7, v11;
	v5 =	vadd.f32 v55, v5  }
0x99: {  	v3 =	vunpack.i.u.bf16.f32 v3;
	v2 =	vadd.f32 v8, v10;
	v4 =	vadd.f32 v6, v4  }
0x9a: {  	v56 =	vunpack.i.l.bf16.f32 v1;
	(xrf2) =	vadd.scan.msk.f32 $0xffff, v7;
	v3 =	vadd.f32 v5, v3  }
0x9b: {  	(xrf2) =	vadd.scan.msk.f32 $0xffff, v2;
	v2 =	vadd.f32 v56, v4  }
0x9c: {  	v1 =	vunpack.i.u.bf16.f32 v1;
	(xrf2) =	vadd.scan.msk.f32 $0xffff, v3  }
0x9d: {  	v1 =	vadd.f32 v2, v1;
	_ =	sdelay $0x1  }
0x9e: {  	(xrf2) =	vadd.scan.msk.f32 $0xffff, v1;
	_ =	sdelay $0x4  }
0x9f: {  	v1, _, _ =	vpop (xrf2)  }
0xa0: {  	s6 =	sadd.s32 $0x3, s7;
	v57 =	vmov s7;
	v3, _, _ =	vpop (xrf2)  }
0xa1: {  	s8 =	sadd.s32 $0x2, s7;
	v59 =	vmov s6;
	vm12 =	veq.s32 v57, v0;
	v58, _, _ =	vpop (xrf2)  }
0xa2: {  	s11 =	sadd.s32 $0x1, s7;
	s12 =	sshll.u32 s10, $0x4;
	s10 =	sadd.s32 $0x1, s10;
	v61 =	vmov s8;
	v2 =	vsel vm1, v9, v21;
	v60 =	vbroadcast v58, $0xF  }
0xa3: {  	v62 =	vmov s11;
	p1 =	sne.s32 s10, $0x19;
	v2 =	vsel vm0, v18, v2;
	v3 =	vbroadcast v3, $0xF  }
.Ltmp1:
0xa4: {  	vm13 =	veq.s32 v62, v0;
	v1 =	vbroadcast v1, $0xF;
	v63, _, _ =	vpop (xrf2);
	v2 =	vsel vm12, v60, v2;
	(pc) =	sbr.rel @p1 .LBB2_3-.Ltmp1, $4  }
0xa5: {  	vm14 =	veq.s32 v61, v0;
	v2 =	vsel vm13, v3, v2;
	v3 =	vbroadcast v63, $0xF  }
0xa6: {  	vm15 =	veq.s32 v59, v0;
	v1 =	vsel vm14, v1, v2  }
0xa7: {  	s6 =	sand.u32 $0x3FFFFFF0, s12;
	v1 =	vsel vm15, v3, v1  }
0xa8: {  	s1 =	sadd.s32 $0x400, s1;
	s0 =	sadd.s32 $0x400, s0;
	[tilespmem:s6+$0x1DE20] =	vst v1  }
0xa9: {  	s0 =	sadd.s32 s4, s30  }
0xaa: {  	s0 =	sshrl.u32 s0, $0x3  }
0xab: {  	s0 =	sadd.s32 s2, s0  }
0xac: {  	[hbm4b:s0+s3] =	stream.linear.scatter [tilespmem:s20], [sflag:$0x7], $0x190, $0x38;
	[tilespmem:$0x1E140] =	vst v63  }
0xad: {  	s11 =	sadd.s32 $0x320, s30  }
0xae: {  	[tilespmem:s14], [sflag:$0x3] =	stream.indirect.gather [hbm4b:s5+s13], $0x40, s11, s13, $0xb8;
	[tilespmem:$0x1E140] =	vst v63  }
0xaf: {  	s12 =	sadd.s32 $0x2A30, s30  }
0xb0: {  	[tilespmem:s15], [sflag:$0x4] =	stream.indirect.gather [hbm4b:s5+s13], $0x40, s12, s13, $0xb8;
	[tilespmem:$0x1E140] =	vst v63  }
0xb1: {  	_ =	swait.ge [sflag:s21], $0x6400  }
0xb2: {  	[sflag:s21] =	ssyncset.done $0x0  }
0xb3: {  	[sflag:s21] =	ssyncadd.s32 $0xFFFF9C00  }
0xb4: {  	_ =	swait.ge [sflag:s22], $0x6400  }
0xb5: {  	[sflag:s22] =	ssyncset.done $0x0  }
0xb6: {  	s0 =	simm.s32 @!p0 $0x8;
	[sflag:s22] =	ssyncadd.s32 $0xFFFF9C00  }
0xb7: {  	_ =	swait.ge @!p0 [sflag:s0], $0x190  }
0xb8: {  	s30 =	simm.s32 $0x0;
	[sflag:s0] =	ssyncset.done @!p0 $0x0  }
0xb9: {  	s1 =	simm.s32 $0x0;
	[sflag:s0] =	ssyncadd.s32 @!p0 $0xFFFFFE70;
	s0 =	simm.s32 $0x0  }
.LBB2_7:
0xba: {  	s6 =	sshra.s32 s0, $0x2  }
0xbb: {  	v1 =	vld [tilespmem:s6+$0xB300]  }
0xbc: {  	v2 =	vld [tilespmem:s6+$0x17B00]  }
0xbd: {  	v3 =	vld [tilespmem:s6+$0xB310]  }
0xbe: {  	v4 =	vld [tilespmem:s6+$0x17B10]  }
0xbf: {  	v5 =	vld [tilespmem:s6+$0xB2C0]  }
0xc0: {  	v6 =	vld [tilespmem:s6+$0x17AC0]  }
0xc1: {  	v7 =	vld [tilespmem:s6+$0xB2D0]  }
0xc2: {  	v8 =	vld [tilespmem:s6+$0x17AD0]  }
0xc3: {  	v9 =	vld [tilespmem:s6+$0xB280]  }
0xc4: {  	v10 =	vld [tilespmem:s6+$0x17A80]  }
0xc5: {  	v11 =	vld [tilespmem:s6+$0xB290]  }
0xc6: {  	v12 =	vld [tilespmem:s6+$0x17A90]  }
0xc7: {  	v13 =	vld [tilespmem:s6+$0xB240]  }
0xc8: {  	v14 =	vld [tilespmem:s6+$0x17A40]  }
0xc9: {  	v15 =	vld [tilespmem:s6+$0xB250]  }
0xca: {  	v16 =	vld [tilespmem:s6+$0x17A50]  }
0xcb: {  	v17 =	vld [tilespmem:s6+$0xB2E0]  }
0xcc: {  	v18 =	vld [tilespmem:s6+$0x17AE0]  }
0xcd: {  	v19 =	vld [tilespmem:s6+$0xB2F0]  }
0xce: {  	v20 =	vld [tilespmem:s6+$0x17AF0]  }
0xcf: {  	v21 =	vld [tilespmem:s6+$0xB2A0]  }
0xd0: {  	v22 =	vld [tilespmem:s6+$0x17AA0]  }
0xd1: {  	v23 =	vld [tilespmem:s6+$0xB2B0]  }
0xd2: {  	v24 =	vld [tilespmem:s6+$0x17AB0]  }
0xd3: {  	v25 =	vld [tilespmem:s6+$0xB260]  }
0xd4: {  	v26 =	vld [tilespmem:s6+$0x17A60]  }
0xd5: {  	v27 =	vld [tilespmem:s6+$0xB270]  }
0xd6: {  	v28 =	vld [tilespmem:s6+$0x17A70]  }
0xd7: {  	v1 =	vmul.bf16 v2, v1;
	v2 =	vld [tilespmem:s6+$0xB220]  }
0xd8: {  	v5 =	vmul.bf16 v6, v5;
	v6 =	vmul.bf16 v4, v3;
	v3 =	vld [tilespmem:s6+$0x17A20]  }
0xd9: {  	s7 =	sadd.s32 $0x400, s0;
	v4 =	vmul.bf16 v22, v21;
	v21 =	vld [tilespmem:s6+$0xB230];
	v22 =	vmul.bf16 v24, v23  }
0xda: {  	s10 =	sshra.s32 s7, $0x2;
	v9 =	vmul.bf16 v10, v9;
	v7 =	vmul.bf16 v8, v7;
	v8 =	vld [tilespmem:s6+$0x17A30]  }
0xdb: {  	v29 =	vld [tilespmem:s10+$0x17AB0];
	v10 =	vmul.bf16 v12, v11;
	v11 =	vmul.bf16 v14, v13  }
0xdc: {  	v12 =	vld [tilespmem:s10+$0xB300];
	v14 =	vmul.bf16 v26, v25;
	v15 =	vmul.bf16 v16, v15;
	v4 =	vadd.bf16 v22, v4  }
0xdd: {  	v13 =	vld [tilespmem:s10+$0x17B00];
	v17 =	vmul.bf16 v18, v17;
	v22 =	vmul.bf16 v28, v27;
	v5 =	vadd.bf16 v7, v5  }
0xde: {  	v16 =	vld [tilespmem:s10+$0xB310];
	v7 =	vmul.bf16 v20, v19;
	v23 =	vunpack.i.l.bf16.f32 v4;
	v2 =	vmul.bf16 v3, v2  }
0xdf: {  	v18 =	vld [tilespmem:s10+$0x17B10];
	v3 =	vadd.bf16 v22, v14;
	v14 =	vadd.f32 $0.0e+00, v23;
	v8 =	vmul.bf16 v8, v21  }
0xe0: {  	v24 =	vld [tilespmem:s10+$0xB280];
	v9 =	vadd.bf16 v10, v9;
	v11 =	vadd.bf16 v15, v11;
	v4 =	vunpack.i.u.bf16.f32 v4  }
0xe1: {  	v25 =	vld [tilespmem:s10+$0x17A80];
	v19 =	vunpack.i.l.bf16.f32 v3;
	v4 =	vadd.f32 v14, v4;
	v2 =	vadd.bf16 v8, v2  }
0xe2: {  	v26 =	vld [tilespmem:s10+$0xB290];
	v7 =	vadd.bf16 v7, v17;
	v14 =	vunpack.i.l.bf16.f32 v5;
	v8 =	vadd.f32 $0.0e+00, v19  }
0xe3: {  	v20 =	vld [tilespmem:s10+$0x17AC0];
	v3 =	vunpack.i.u.bf16.f32 v3;
	v4 =	vadd.f32 v14, v4;
	v10 =	vunpack.i.l.bf16.f32 v2  }
0xe4: {  	v15 =	vld [tilespmem:s10+$0x17A90];
	v5 =	vunpack.i.u.bf16.f32 v5;
	v3 =	vadd.f32 v8, v3;
	v8 =	vadd.f32 $0.0e+00, v10  }
0xe5: {  	v27 =	vld [tilespmem:s10+$0x17AA0];
	v2 =	vunpack.i.u.bf16.f32 v2;
	v10 =	vunpack.i.l.bf16.f32 v9;
	v14 =	vadd.f32 v4, v5  }
0xe6: {  	v28 =	vld [tilespmem:s10+$0xB2B0];
	v4 =	vunpack.i.l.bf16.f32 v7;
	v5 =	vadd.f32 v10, v3;
	v2 =	vadd.f32 v8, v2  }
0xe7: {  	v17 =	vld [tilespmem:s10+$0x17A60];
	v8 =	vunpack.i.u.bf16.f32 v9;
	v9 =	vunpack.i.l.bf16.f32 v11;
	v10 =	vadd.f32 $0.0e+00, v4  }
0xe8: {  	v1 =	vadd.bf16 v6, v1;
	v22 =	vld [tilespmem:s10+$0xB2C0];
	v7 =	vunpack.i.u.bf16.f32 v7;
	v2 =	vadd.f32 v9, v2  }
0xe9: {  	v21 =	vld [tilespmem:s10+$0xB2D0];
	v6 =	vadd.f32 v5, v8;
	v9 =	vunpack.i.u.bf16.f32 v11;
	v7 =	vadd.f32 v10, v7  }
0xea: {  	v23 =	vld [tilespmem:s10+$0x17AD0];
	(xrf2) =	vadd.scan.msk.f32 $0xffff, v14;
	v2 =	vadd.f32 v2, v9;
	v9 =	vunpack.i.l.bf16.f32 v1  }
0xeb: {  	v19 =	vld [tilespmem:s10+$0xB270];
	(xrf2) =	vadd.scan.msk.f32 $0xffff, v6;
	v10 =	vadd.f32 v9, v7  }
0xec: {  	v3 =	vld [tilespmem:s10+$0xB240];
	v1 =	vunpack.i.u.bf16.f32 v1;
	(xrf2) =	vadd.scan.msk.f32 $0xffff, v2  }
0xed: {  	v4 =	vld [tilespmem:s10+$0x17A40];
	v1 =	vadd.f32 v10, v1  }
0xee: {  	v14 =	vld [tilespmem:s10+$0xB260]  }
0xef: {  	v5 =	vld [tilespmem:s10+$0xB250];
	(xrf2) =	vadd.scan.msk.f32 $0xffff, v1  }
0xf0: {  	v8 =	vld [tilespmem:s10+$0x17A50]  }
0xf1: {  	v11 =	vld [tilespmem:s10+$0xB2A0]  }
0xf2: {  	s11 =	simm.s32 $0x3;
	s8 =	simm.s32 $0x2;
	v6 =	vld [tilespmem:s10+$0xB2E0]  }
0xf3: {  	v30 =	vimm.f32 $0.0e+00;
	v31 =	vmov s11;
	v33 =	vmov s8;
	v9 =	vld [tilespmem:s10+$0x17AE0]  }
0xf4: {  	vm0 =	veq.s32 v31, v0;
	v15 =	vmul.bf16 v15, v26;
	v7 =	vld [tilespmem:s10+$0xB2F0];
	v2 =	vmov s30;
	v32, _, _ =	vpop (xrf2)  }
0xf5: {  	v10 =	vld [tilespmem:s10+$0x17AF0];
	vm3 =	veq.s32 v2, v0;
	v2 =	vmul.bf16 v18, v16;
	v16 =	vmul.bf16 v23, v21;
	v34, _, _ =	vpop (xrf2)  }
0xf6: {  	s12 =	simm.s32 $0x1;
	vm1 =	veq.s32 v33, v0;
	v1 =	vmul.bf16 v13, v12;
	v13 =	vmul.bf16 v20, v22;
	v22 =	vld [tilespmem:s10+$0x17A70];
	v21, _, _ =	vpop (xrf2)  }
0xf7: {  	v18 =	vmov s12;
	v26 =	vmul.bf16 v27, v11;
	v20 =	vld [tilespmem:s10+$0xB220];
	v21 =	vbroadcast v21, $0xF  }
0xf8: {  	vm2 =	veq.s32 v18, v0;
	v12 =	vmul.bf16 v25, v24;
	v24 =	vld [tilespmem:s10+$0x17A20];
	v18 =	vbroadcast v34, $0xF  }
0xf9: {  	s7 =	sadd.s32 $0x400, s7;
	s8 =	simm.s32 $0x8;
	s6 =	simm.s32 $0x4;
	v27 =	vmul.bf16 v29, v28;
	v25 =	vld [tilespmem:s10+$0xB230];
	v11 =	vbroadcast v32, $0xF;
	v21 =	vsel vm3, v21, v30;
	v23, _, _ =	vpop (xrf2)  }
.LBB2_8:
0xfa: {  	p0 =	slt.u32 s8, $0xC;
	v28 =	vld [tilespmem:s10+$0x17A30];
	s10 =	sshra.s32 s7, $0x2;
	v3 =	vmul.bf16 v4, v3;
	v4 =	vsel vm2, v18, v21;
	v18 =	vbroadcast v23, $0xF  }
0xfb: {  	v5 =	vmul.bf16 v8, v5;
	v21 =	vld [tilespmem:s10+$0xB300];
	v8 =	vadd.bf16 v27, v26;
	v4 =	vsel vm1, v11, v4  }
0xfc: {  	v14 =	vmul.bf16 v17, v14;
	v17 =	vmul.bf16 v22, v19;
	v23 =	vld [tilespmem:s10+$0x17B00];
	v11 =	vsel vm0, v18, v4  }
0xfd: {  	v6 =	vmul.bf16 v9, v6;
	v7 =	vmul.bf16 v10, v7;
	v18 =	vld [tilespmem:s10+$0xB310];
	v4 =	vunpack.i.l.bf16.f32 v8  }
0xfe: {  	v9 =	vmul.bf16 v24, v20;
	v10 =	vadd.bf16 v17, v14;
	v22 =	vld [tilespmem:s10+$0x17B10];
	v4 =	vadd.f32 $0.0e+00, v4  }
0xff: {  	v13 =	vadd.bf16 v16, v13;
	v8 =	vunpack.i.u.bf16.f32 v8;
	v20 =	vld [tilespmem:s10+$0xB2C0];
	v14 =	vmul.bf16 v28, v25  }
0x100: {  	v12 =	vadd.bf16 v15, v12;
	v17 =	vunpack.i.l.bf16.f32 v10;
	v16 =	vld [tilespmem:s10+$0x17AC0];
	v4 =	vadd.f32 v4, v8  }
0x101: {  	v15 =	vld [tilespmem:s10+$0xB2D0];
	v8 =	vadd.bf16 v14, v9;
	v9 =	vadd.f32 $0.0e+00, v17;
	v14 =	vunpack.i.l.bf16.f32 v13  }
0x102: {  	v6 =	vadd.bf16 v7, v6;
	v10 =	vunpack.i.u.bf16.f32 v10;
	v24 =	vld [tilespmem:s10+$0x17AD0];
	v4 =	vadd.f32 v14, v4  }
0x103: {  	v25 =	vld [tilespmem:s10+$0xB280];
	v7 =	vunpack.i.l.bf16.f32 v8;
	v9 =	vadd.f32 v9, v10;
	v10 =	vunpack.i.u.bf16.f32 v13  }
0x104: {  	v13 =	vunpack.i.l.bf16.f32 v12;
	v26 =	vld [tilespmem:s10+$0x17A80];
	v7 =	vadd.f32 $0.0e+00, v7;
	v4 =	vadd.f32 v4, v10  }
0x105: {  	v8 =	vunpack.i.u.bf16.f32 v8;
	v10 =	vadd.bf16 v5, v3;
	v27 =	vld [tilespmem:s10+$0xB290];
	v5 =	vadd.f32 v13, v9  }
0x106: {  	v9 =	vunpack.i.l.bf16.f32 v6;
	v28 =	vld [tilespmem:s10+$0x17A90];
	v7 =	vadd.f32 v7, v8;
	v8 =	vunpack.i.u.bf16.f32 v12;
	(xrf2) =	vadd.scan.msk.f32 $0xffff, v4  }
0x107: {  	v12 =	vunpack.i.l.bf16.f32 v10;
	v9 =	vadd.f32 $0.0e+00, v9;
	v3 =	vld [tilespmem:s10+$0xB240];
	v8 =	vadd.f32 v5, v8  }
0x108: {  	v1 =	vadd.bf16 v2, v1;
	v6 =	vunpack.i.u.bf16.f32 v6;
	v4 =	vld [tilespmem:s10+$0x17A40];
	v7 =	vadd.f32 v12, v7  }
0x109: {  	v2 =	vunpack.i.u.bf16.f32 v10;
	v9 =	vadd.f32 v9, v6;
	v5 =	vld [tilespmem:s10+$0xB250];
	(xrf2) =	vadd.scan.msk.f32 $0xffff, v8  }
0x10a: {  	v8 =	vld [tilespmem:s10+$0x17A50];
	v2 =	vadd.f32 v7, v2;
	v7 =	vunpack.i.l.bf16.f32 v1  }
0x10b: {  	v6 =	vld [tilespmem:s10+$0xB2E0];
	v10 =	vadd.f32 v7, v9  }
0x10c: {  	v1 =	vunpack.i.u.bf16.f32 v1;
	v9 =	vld [tilespmem:s10+$0x17AE0];
	(xrf2) =	vadd.scan.msk.f32 $0xffff, v2  }
0x10d: {  	v7 =	vld [tilespmem:s10+$0xB2F0];
	v1 =	vadd.f32 v10, v1  }
0x10e: {  	v10 =	vld [tilespmem:s10+$0x17AF0]  }
0x10f: {  	v29 =	vld [tilespmem:s10+$0xB2A0];
	(xrf2) =	vadd.scan.msk.f32 $0xffff, v1  }
0x110: {  	v30 =	vld [tilespmem:s10+$0x17AA0];
	v31, _, _ =	vpop (xrf2)  }
0x111: {  	v32 =	vld [tilespmem:s10+$0xB2B0]  }
0x112: {  	s9 =	sadd.s32 $0x3, s6;
	v33 =	vld [tilespmem:s10+$0x17AB0]  }
0x113: {  	s11 =	sadd.s32 $0x2, s6;
	v34 =	vmov s9;
	v2 =	vmov s6;
	v14 =	vld [tilespmem:s10+$0xB260];
	v35, _, _ =	vpop (xrf2)  }
0x114: {  	s9 =	sadd.s32 $0x1, s6;
	s6 =	smov.u32 s8;
	vm3 =	veq.s32 v2, v0;
	v1 =	vmul.bf16 v23, v21;
	v21 =	vmov s11;
	v17 =	vld [tilespmem:s10+$0x17A60]  }
.Ltmp2:
0x115: {  	v13 =	vmul.bf16 v16, v20;
	v2 =	vmul.bf16 v22, v18;
	v18 =	vmov s9;
	v19 =	vld [tilespmem:s10+$0xB270];
	(pc) =	sbr.rel @p0 .LBB2_8-.Ltmp2, $4  }
0x116: {  	vm0 =	veq.s32 v34, v0;
	v16 =	vmul.bf16 v24, v15;
	v12 =	vmul.bf16 v26, v25;
	v22 =	vld [tilespmem:s10+$0x17A70];
	v23, _, _ =	vpop (xrf2)  }
0x117: {  	v15 =	vmul.bf16 v28, v27;
	vm1 =	veq.s32 v21, v0;
	v20 =	vld [tilespmem:s10+$0xB220];
	v28 =	vbroadcast v23, $0xF  }
0x118: {  	vm2 =	veq.s32 v18, v0;
	v18 =	vbroadcast v35, $0xF;
	v26 =	vmul.bf16 v30, v29;
	v24 =	vld [tilespmem:s10+$0x17A20]  }
0x119: {  	s7 =	sadd.s32 $0x400, s7;
	s8 =	sadd.s32 $0x4, s8;
	v27 =	vmul.bf16 v33, v32;
	v25 =	vld [tilespmem:s10+$0xB230];
	v21 =	vsel vm3, v28, v11;
	v11 =	vbroadcast v31, $0xF;
	v23, _, _ =	vpop (xrf2)  }
0x11a: {  	v28 =	vld [tilespmem:s10+$0x17A30]  }
0x11b: {  	v3 =	vmul.bf16 v4, v3;
	v14 =	vmul.bf16 v17, v14  }
0x11c: {  	v5 =	vmul.bf16 v8, v5;
	v6 =	vmul.bf16 v9, v6  }
0x11d: {  	v13 =	vadd.bf16 v16, v13;
	v7 =	vmul.bf16 v10, v7;
	v12 =	vadd.bf16 v15, v12  }
0x11e: {  	v1 =	vadd.bf16 v2, v1;
	v41 =	vadd.bf16 v27, v26;
	v42 =	vmul.bf16 v22, v19  }
0x11f: {  	v49 =	vunpack.i.l.bf16.f32 v13;
	v44 =	vmul.bf16 v24, v20;
	v45 =	vmul.bf16 v28, v25  }
0x120: {  	v6 =	vadd.bf16 v7, v6;
	v51 =	vunpack.i.u.bf16.f32 v13;
	v14 =	vadd.bf16 v42, v14  }
0x121: {  	v52 =	vunpack.i.l.bf16.f32 v12;
	v43 =	vunpack.i.l.bf16.f32 v41;
	v47 =	vadd.bf16 v45, v44  }
0x122: {  	v3 =	vadd.bf16 v5, v3;
	v8 =	vadd.f32 $0.0e+00, v43;
	v46 =	vunpack.i.l.bf16.f32 v14  }
0x123: {  	v4 =	vunpack.i.u.bf16.f32 v41;
	v48 =	vadd.f32 $0.0e+00, v46;
	v50 =	vunpack.i.l.bf16.f32 v47  }
0x124: {  	v14 =	vunpack.i.u.bf16.f32 v14;
	v4 =	vadd.f32 v8, v4;
	v7 =	vadd.f32 $0.0e+00, v50  }
0x125: {  	v55 =	vunpack.i.u.bf16.f32 v12;
	v9 =	vadd.f32 v48, v14;
	v8 =	vunpack.i.u.bf16.f32 v47  }
0x126: {  	v54 =	vunpack.i.l.bf16.f32 v6;
	v4 =	vadd.f32 v49, v4;
	v7 =	vadd.f32 v7, v8  }
0x127: {  	v56 =	vunpack.i.l.bf16.f32 v3;
	v53 =	vadd.f32 v52, v9;
	v8 =	vadd.f32 $0.0e+00, v54  }
0x128: {  	v6 =	vunpack.i.u.bf16.f32 v6;
	v4 =	vadd.f32 v4, v51;
	v7 =	vadd.f32 v56, v7  }
0x129: {  	v3 =	vunpack.i.u.bf16.f32 v3;
	v2 =	vadd.f32 v53, v55;
	v57 =	vadd.f32 v8, v6  }
0x12a: {  	v58 =	vunpack.i.l.bf16.f32 v1;
	(xrf2) =	vadd.scan.msk.f32 $0xffff, v4;
	v3 =	vadd.f32 v7, v3  }
0x12b: {  	(xrf2) =	vadd.scan.msk.f32 $0xffff, v2;
	v2 =	vadd.f32 v58, v57  }
0x12c: {  	v1 =	vunpack.i.u.bf16.f32 v1;
	(xrf2) =	vadd.scan.msk.f32 $0xffff, v3  }
0x12d: {  	v1 =	vadd.f32 v2, v1;
	_ =	sdelay $0x1  }
0x12e: {  	(xrf2) =	vadd.scan.msk.f32 $0xffff, v1;
	_ =	sdelay $0x4  }
0x12f: {  	v2 =	vbroadcast v23, $0xF;
	v1 =	vsel vm2, v18, v21;
	v3, _, _ =	vpop (xrf2)  }
0x130: {  	v1 =	vsel vm1, v11, v1;
	v59, _, _ =	vpop (xrf2)  }
0x131: {  	s7 =	sadd.s32 $0x3, s6;
	s8 =	sadd.s32 $0x2, s6;
	v1 =	vsel vm0, v2, v1;
	v2 =	vmov s6;
	v60, _, _ =	vpop (xrf2)  }
0x132: {  	s11 =	sadd.s32 $0x1, s6;
	s12 =	sshll.u32 s1, $0x4;
	s1 =	sadd.s32 $0x1, s1;
	v61 =	vmov s7;
	vm12 =	veq.s32 v2, v0;
	v2 =	vbroadcast v60, $0xF  }
0x133: {  	v62 =	vmov s8;
	v63 =	vmov s11;
	p0 =	sne.s32 s1, $0x19;
	v4 =	vbroadcast v59, $0xF  }
.Ltmp3:
0x134: {  	vm13 =	veq.s32 v63, v0;
	v1 =	vsel vm12, v2, v1;
	v2 =	vbroadcast v3, $0xF;
	v3, _, _ =	vpop (xrf2);
	(pc) =	sbr.rel @p0 .LBB2_7-.Ltmp3, $4  }
0x135: {  	vm14 =	veq.s32 v62, v0;
	v1 =	vsel vm13, v4, v1;
	v3 =	vbroadcast v3, $0xF  }
0x136: {  	vm15 =	veq.s32 v61, v0;
	v1 =	vsel vm14, v2, v1  }
0x137: {  	s6 =	sand.u32 $0x3FFFFFF0, s12;
	v1 =	vsel vm15, v3, v1  }
0x138: {  	s0 =	sadd.s32 $0x1000, s0;
	[tilespmem:s6+$0x1DFB0] =	vst v1  }
0x139: {  	s28 =	sadd.s32 $0x1, s28  }
0x13a: {  	p0 =	sne.s32 s28, $0xC  }
.Ltmp4:
0x13b: {  	_ = 	snop;
	(pc) =	sbr.rel @p0 .LBB2_2-.Ltmp4, $4  }
0x13c: {  	s0 =	sadd.s32 s4, s29  }
0x13d: {  	s0 =	sshrl.u32 s0, $0x3  }
0x13e: {  	s0 =	sadd.s32 s2, s0  }
0x13f: {  	[hbm4b:s0+s3] =	stream.linear.scatter [tilespmem:s23], [sflag:$0x8], $0x190, $0x38;
	[tilespmem:$0x1E140] =	vst v63  }
0x140: {  	_ =	swait.ge [sflag:s18], $0x6400  }
0x141: {  	[sflag:s18] =	ssyncset.done $0x0  }
0x142: {  	[sflag:s18] =	ssyncadd.s32 $0xFFFF9C00  }
0x143: {  	_ =	swait.ge [sflag:s19], $0x6400  }
0x144: {  	[sflag:s19] =	ssyncset.done $0x0  }
0x145: {  	[sflag:s19] =	ssyncadd.s32 $0xFFFF9C00  }
0x146: {  	_ =	swait.ge [sflag:s24], $0x190  }
0x147: {  	s28 =	simm.s32 $0x0;
	s1 =	simm.s32 $0x116A0;
	[sflag:s24] =	ssyncset.done $0x0  }
0x148: {  	s0 =	simm.s32 $0x4EA0;
	s10 =	simm.s32 $0x0;
	[sflag:s24] =	ssyncadd.s32 $0xFFFFFE70  }
.LBB2_12:
0x149: {  	v1 =	vld [tilespmem:s0+$0x60]  }
0x14a: {  	v2 =	vld [tilespmem:s1+$0x60]  }
0x14b: {  	v3 =	vld [tilespmem:s0+$0x70]  }
0x14c: {  	v4 =	vld [tilespmem:s1+$0x70]  }
0x14d: {  	v5 =	vld [tilespmem:s0+$0x20]  }
0x14e: {  	v6 =	vld [tilespmem:s1+$0x20]  }
0x14f: {  	v7 =	vld [tilespmem:s0+$0x30]  }
0x150: {  	v8 =	vld [tilespmem:s1+$0x30]  }
0x151: {  	v9 =	vld [tilespmem:s0+$0xFFFFFFE0]  }
0x152: {  	v10 =	vld [tilespmem:s1+$0xFFFFFFE0]  }
0x153: {  	v11 =	vld [tilespmem:s0+$0xFFFFFFF0]  }
0x154: {  	v12 =	vld [tilespmem:s1+$0xFFFFFFF0]  }
0x155: {  	v13 =	vld [tilespmem:s0+$0xFFFFFFA0]  }
0x156: {  	v14 =	vld [tilespmem:s1+$0xFFFFFFA0]  }
0x157: {  	v15 =	vld [tilespmem:s0+$0xFFFFFFB0]  }
0x158: {  	v16 =	vld [tilespmem:s1+$0xFFFFFFB0]  }
0x159: {  	v17 =	vld [tilespmem:s0+$0x40]  }
0x15a: {  	v18 =	vld [tilespmem:s1+$0x40]  }
0x15b: {  	v19 =	vld [tilespmem:s0+$0x50]  }
0x15c: {  	v20 =	vld [tilespmem:s1+$0x50]  }
0x15d: {  	v21 =	vld [tilespmem:s0+$0x0]  }
0x15e: {  	v22 =	vld [tilespmem:s1+$0x0]  }
0x15f: {  	v23 =	vld [tilespmem:s0+$0x10]  }
0x160: {  	v24 =	vld [tilespmem:s1+$0x10]  }
0x161: {  	v25 =	vld [tilespmem:s0+$0xFFFFFFC0]  }
0x162: {  	v26 =	vld [tilespmem:s1+$0xFFFFFFC0]  }
0x163: {  	v27 =	vld [tilespmem:s0+$0xFFFFFFD0]  }
0x164: {  	v28 =	vld [tilespmem:s1+$0xFFFFFFD0]  }
0x165: {  	v1 =	vmul.bf16 v2, v1;
	v2 =	vld [tilespmem:s0+$0xFFFFFF80]  }
0x166: {  	v5 =	vmul.bf16 v6, v5;
	v3 =	vmul.bf16 v4, v3;
	v4 =	vld [tilespmem:s1+$0xFFFFFF80]  }
0x167: {  	v6 =	vmul.bf16 v22, v21;
	v21 =	vld [tilespmem:s0+$0xFFFFFF90];
	v22 =	vmul.bf16 v24, v23  }
0x168: {  	s8 =	sadd.s32 $0x100, s0;
	v9 =	vmul.bf16 v10, v9;
	v7 =	vmul.bf16 v8, v7;
	v8 =	vld [tilespmem:s1+$0xFFFFFF90]  }
0x169: {  	s6 =	sadd.s32 $0x100, s1;
	v63 =	vld [tilespmem:s8+$0xFFFFFFA0];
	v10 =	vmul.bf16 v12, v11;
	v11 =	vmul.bf16 v14, v13  }
0x16a: {  	v29 =	vld [tilespmem:s6+$0xFFFFFFA0];
	v12 =	vmul.bf16 v26, v25;
	v15 =	vmul.bf16 v16, v15;
	v6 =	vadd.bf16 v22, v6  }
0x16b: {  	v30 =	vld [tilespmem:s6+$0x0];
	v17 =	vmul.bf16 v18, v17;
	v22 =	vmul.bf16 v28, v27;
	v5 =	vadd.bf16 v7, v5  }
0x16c: {  	v31 =	vld [tilespmem:s8+$0x10];
	v7 =	vmul.bf16 v20, v19;
	v16 =	vunpack.i.l.bf16.f32 v6;
	v2 =	vmul.bf16 v4, v2  }
0x16d: {  	v32 =	vld [tilespmem:s6+$0x10];
	v4 =	vadd.bf16 v22, v12;
	v12 =	vadd.f32 $0.0e+00, v16;
	v8 =	vmul.bf16 v8, v21  }
0x16e: {  	v13 =	vld [tilespmem:s8+$0x60];
	v9 =	vadd.bf16 v10, v9;
	v1 =	vadd.bf16 v3, v1;
	v6 =	vunpack.i.u.bf16.f32 v6  }
0x16f: {  	v14 =	vld [tilespmem:s6+$0x60];
	v16 =	vunpack.i.l.bf16.f32 v4;
	v6 =	vadd.f32 v12, v6;
	v2 =	vadd.bf16 v8, v2  }
0x170: {  	v23 =	vld [tilespmem:s8+$0x70];
	v7 =	vadd.bf16 v7, v17;
	v12 =	vunpack.i.l.bf16.f32 v5;
	v8 =	vadd.f32 $0.0e+00, v16  }
0x171: {  	v18 =	vld [tilespmem:s6+$0x70];
	v4 =	vunpack.i.u.bf16.f32 v4;
	v6 =	vadd.f32 v12, v6;
	v12 =	vunpack.i.l.bf16.f32 v2  }
0x172: {  	v24 =	vld [tilespmem:s6+$0x30];
	v5 =	vunpack.i.u.bf16.f32 v5;
	v4 =	vadd.f32 v8, v4;
	v8 =	vadd.f32 $0.0e+00, v12  }
0x173: {  	v25 =	vld [tilespmem:s6+$0xFFFFFFE0];
	v2 =	vunpack.i.u.bf16.f32 v2;
	v5 =	vadd.f32 v6, v5;
	v6 =	vadd.bf16 v15, v11  }
0x174: {  	v26 =	vld [tilespmem:s8+$0xFFFFFFF0];
	v12 =	vunpack.i.l.bf16.f32 v9;
	v2 =	vadd.f32 v8, v2;
	v8 =	vunpack.i.l.bf16.f32 v7  }
0x175: {  	v19 =	vld [tilespmem:s6+$0x20];
	v4 =	vadd.f32 v12, v4;
	v11 =	vunpack.i.l.bf16.f32 v6;
	v8 =	vadd.f32 $0.0e+00, v8  }
0x176: {  	v10 =	vld [tilespmem:s8+$0xFFFFFFE0];
	v9 =	vunpack.i.u.bf16.f32 v9;
	v7 =	vunpack.i.u.bf16.f32 v7;
	v2 =	vadd.f32 v11, v2  }
0x177: {  	v27 =	vld [tilespmem:s6+$0xFFFFFFF0];
	v6 =	vunpack.i.u.bf16.f32 v6;
	v4 =	vadd.f32 v4, v9;
	v8 =	vadd.f32 v8, v7  }
0x178: {  	v3 =	vld [tilespmem:s8+$0xFFFFFFB0];
	(xrf2) =	vadd.scan.msk.f32 $0xffff, v5;
	v5 =	vunpack.i.l.bf16.f32 v1;
	v2 =	vadd.f32 v2, v6  }
0x179: {  	v21 =	vld [tilespmem:s8+$0x30];
	(xrf2) =	vadd.scan.msk.f32 $0xffff, v4;
	v8 =	vadd.f32 v5, v8  }
0x17a: {  	v20 =	vld [tilespmem:s6+$0xFFFFFFD0];
	v1 =	vunpack.i.u.bf16.f32 v1;
	(xrf2) =	vadd.scan.msk.f32 $0xffff, v2  }
0x17b: {  	v17 =	vld [tilespmem:s8+$0xFFFFFFD0];
	v1 =	vadd.f32 v8, v1  }
0x17c: {  	v22 =	vld [tilespmem:s8+$0x20]  }
0x17d: {  	v16 =	vld [tilespmem:s6+$0xFFFFFFC0];
	(xrf2) =	vadd.scan.msk.f32 $0xffff, v1  }
0x17e: {  	v15 =	vmul.bf16 v24, v21;
	v24 =	vld [tilespmem:s6+$0xFFFFFF90]  }
0x17f: {  	v9 =	vld [tilespmem:s8+$0x0]  }
0x180: {  	s7 =	simm.s32 $0x3;
	v12 =	vld [tilespmem:s8+$0xFFFFFFC0]  }
0x181: {  	v34 =	vmov s7;
	v11 =	vmul.bf16 v19, v22;
	v19 =	vld [tilespmem:s8+$0xFFFFFF80]  }
0x182: {  	v33 =	vimm.f32 $0.0e+00;
	vm0 =	veq.s32 v34, v0;
	v7 =	vld [tilespmem:s6+$0xFFFFFFB0];
	v2 =	vmov s28;
	v35, _, _ =	vpop (xrf2)  }
0x183: {  	s30 =	simm.s32 $0x1;
	v10 =	vmul.bf16 v25, v10;
	v4 =	vld [tilespmem:s8+$0x40];
	vm2 =	veq.s32 v2, v0;
	v2 =	vmul.bf16 v18, v23;
	v36, _, _ =	vpop (xrf2)  }
0x184: {  	v6 =	vld [tilespmem:s6+$0x40];
	v18 =	vmov s30;
	v25 =	vmul.bf16 v30, v9;
	v1 =	vmul.bf16 v14, v13;
	v21, _, _ =	vpop (xrf2)  }
0x185: {  	s9 =	simm.s32 $0x2;
	v5 =	vld [tilespmem:s8+$0x50];
	vm3 =	veq.s32 v18, v0;
	v14 =	vmul.bf16 v27, v26;
	v21 =	vbroadcast v21, $0xF  }
0x186: {  	v8 =	vld [tilespmem:s6+$0x50];
	v13 =	vmov s9;
	v26 =	vmul.bf16 v32, v31;
	v18 =	vbroadcast v36, $0xF  }
0x187: {  	v22 =	vld [tilespmem:s6+$0xFFFFFF80];
	vm1 =	veq.s32 v13, v0;
	v9 =	vbroadcast v35, $0xF;
	v21 =	vsel vm2, v21, v33;
	v27, _, _ =	vpop (xrf2)  }
0x188: {  	s7 =	simm.s32 $0x4;
	v23 =	vld [tilespmem:s8+$0xFFFFFF90];
	s8 =	sadd.s32 $0x100, s8;
	s9 =	simm.s32 $0x8;
	v13 =	vmul.bf16 v29, v63;
	v21 =	vsel vm3, v18, v21;
	v18 =	vbroadcast v27, $0xF  }
.LBB2_13:
0x189: {  	v27 =	vld [tilespmem:s8+$0x60];
	p0 =	slt.u32 s9, $0xC;
	v3 =	vmul.bf16 v7, v3;
	v7 =	vadd.bf16 v26, v25;
	s6 =	sadd.s32 $0x100, s6;
	v9 =	vsel vm1, v9, v21  }
0x18a: {  	v12 =	vmul.bf16 v16, v12;
	v16 =	vmul.bf16 v20, v17;
	v21 =	vld [tilespmem:s6+$0x60];
	v9 =	vsel vm0, v18, v9  }
0x18b: {  	v4 =	vmul.bf16 v6, v4;
	v5 =	vmul.bf16 v8, v5;
	v18 =	vld [tilespmem:s8+$0x70];
	v17 =	vunpack.i.l.bf16.f32 v7  }
0x18c: {  	v6 =	vmul.bf16 v22, v19;
	v8 =	vadd.bf16 v16, v12;
	v20 =	vld [tilespmem:s6+$0x70];
	v12 =	vadd.f32 $0.0e+00, v17  }
0x18d: {  	v11 =	vadd.bf16 v15, v11;
	v7 =	vunpack.i.u.bf16.f32 v7;
	v19 =	vld [tilespmem:s8+$0x20];
	v16 =	vmul.bf16 v24, v23  }
0x18e: {  	v10 =	vadd.bf16 v14, v10;
	v17 =	vunpack.i.l.bf16.f32 v8;
	v15 =	vld [tilespmem:s6+$0x20];
	v7 =	vadd.f32 v12, v7  }
0x18f: {  	v12 =	vadd.f32 $0.0e+00, v17;
	v14 =	vld [tilespmem:s8+$0x30];
	v6 =	vadd.bf16 v16, v6;
	v16 =	vunpack.i.l.bf16.f32 v11  }
0x190: {  	v4 =	vadd.bf16 v5, v4;
	v8 =	vunpack.i.u.bf16.f32 v8;
	v22 =	vld [tilespmem:s6+$0x30];
	v7 =	vadd.f32 v16, v7  }
0x191: {  	v11 =	vunpack.i.u.bf16.f32 v11;
	v8 =	vadd.f32 v12, v8;
	v23 =	vld [tilespmem:s8+$0xFFFFFFE0];
	v5 =	vunpack.i.l.bf16.f32 v6  }
0x192: {  	v12 =	vunpack.i.l.bf16.f32 v10;
	v24 =	vld [tilespmem:s6+$0xFFFFFFE0];
	v5 =	vadd.f32 $0.0e+00, v5;
	v7 =	vadd.f32 v7, v11  }
0x193: {  	v6 =	vunpack.i.u.bf16.f32 v6;
	v11 =	vadd.bf16 v3, v13;
	v3 =	vadd.f32 v12, v8;
	v25 =	vld [tilespmem:s8+$0xFFFFFFF0]  }
0x194: {  	v8 =	vunpack.i.l.bf16.f32 v4;
	v13 =	vld [tilespmem:s6+$0xFFFFFFF0];
	v5 =	vadd.f32 v5, v6;
	v6 =	vunpack.i.u.bf16.f32 v10;
	(xrf2) =	vadd.scan.msk.f32 $0xffff, v7  }
0x195: {  	v8 =	vadd.f32 $0.0e+00, v8;
	v7 =	vunpack.i.l.bf16.f32 v11;
	v28 =	vld [tilespmem:s8+$0xFFFFFFA0];
	v6 =	vadd.f32 v3, v6  }
0x196: {  	v1 =	vadd.bf16 v2, v1;
	v4 =	vunpack.i.u.bf16.f32 v4;
	v29 =	vld [tilespmem:s6+$0xFFFFFFA0];
	v5 =	vadd.f32 v7, v5  }
0x197: {  	v2 =	vunpack.i.u.bf16.f32 v11;
	v8 =	vadd.f32 v8, v4;
	v3 =	vld [tilespmem:s8+$0xFFFFFFB0];
	(xrf2) =	vadd.scan.msk.f32 $0xffff, v6  }
0x198: {  	v7 =	vld [tilespmem:s6+$0xFFFFFFB0];
	v2 =	vadd.f32 v5, v2;
	v5 =	vunpack.i.l.bf16.f32 v1  }
0x199: {  	v4 =	vld [tilespmem:s8+$0x40];
	v8 =	vadd.f32 v5, v8  }
0x19a: {  	v1 =	vunpack.i.u.bf16.f32 v1;
	v6 =	vld [tilespmem:s6+$0x40];
	(xrf2) =	vadd.scan.msk.f32 $0xffff, v2  }
0x19b: {  	v5 =	vld [tilespmem:s8+$0x50];
	v1 =	vadd.f32 v8, v1  }
0x19c: {  	v8 =	vld [tilespmem:s6+$0x50]  }
0x19d: {  	v26 =	vld [tilespmem:s8+$0x0];
	(xrf2) =	vadd.scan.msk.f32 $0xffff, v1  }
0x19e: {  	v30 =	vld [tilespmem:s6+$0x0];
	v31, _, _ =	vpop (xrf2)  }
0x19f: {  	v32 =	vld [tilespmem:s8+$0x10]  }
0x1a0: {  	s11 =	sadd.s32 $0x3, s7;
	v33 =	vld [tilespmem:s6+$0x10]  }
0x1a1: {  	s12 =	sadd.s32 $0x2, s7;
	v34 =	vmov s11;
	v2 =	vmov s7;
	v12 =	vld [tilespmem:s8+$0xFFFFFFC0];
	v35, _, _ =	vpop (xrf2)  }
0x1a2: {  	s11 =	sadd.s32 $0x1, s7;
	s7 =	smov.u32 s9;
	vm2 =	veq.s32 v2, v0;
	v1 =	vmul.bf16 v21, v27;
	v21 =	vmov s12;
	v16 =	vld [tilespmem:s6+$0xFFFFFFC0]  }
0x1a3: {  	v11 =	vmul.bf16 v15, v19;
	v2 =	vmul.bf16 v20, v18;
	v18 =	vmov s11;
	v17 =	vld [tilespmem:s8+$0xFFFFFFD0]  }
.Ltmp5:
0x1a4: {  	vm0 =	veq.s32 v34, v0;
	v15 =	vmul.bf16 v22, v14;
	v10 =	vmul.bf16 v24, v23;
	v20 =	vld [tilespmem:s6+$0xFFFFFFD0];
	v22, _, _ =	vpop (xrf2);
	(pc) =	sbr.rel @p0 .LBB2_13-.Ltmp5, $4  }
0x1a5: {  	v14 =	vmul.bf16 v13, v25;
	vm1 =	veq.s32 v21, v0;
	v19 =	vld [tilespmem:s8+$0xFFFFFF80];
	v13 =	vbroadcast v22, $0xF  }
0x1a6: {  	vm3 =	veq.s32 v18, v0;
	v18 =	vbroadcast v35, $0xF;
	v25 =	vmul.bf16 v30, v26;
	v22 =	vld [tilespmem:s6+$0xFFFFFF80]  }
0x1a7: {  	v26 =	vmul.bf16 v33, v32;
	v23 =	vld [tilespmem:s8+$0xFFFFFF90];
	v21 =	vsel vm2, v13, v9;
	v9 =	vbroadcast v31, $0xF;
	v27, _, _ =	vpop (xrf2)  }
0x1a8: {  	s9 =	sadd.s32 $0x4, s9;
	v13 =	vmul.bf16 v29, v28;
	s8 =	sadd.s32 $0x100, s8;
	v24 =	vld [tilespmem:s6+$0xFFFFFF90];
	v21 =	vsel vm3, v18, v21;
	v18 =	vbroadcast v27, $0xF  }
0x1a9: {  	_ = 	snop  }
0x1aa: {  	v25 =	vadd.bf16 v26, v25;
	v12 =	vmul.bf16 v16, v12;
	v46 =	vmul.bf16 v20, v17  }
0x1ab: {  	v3 =	vmul.bf16 v7, v3;
	v4 =	vmul.bf16 v6, v4;
	v11 =	vadd.bf16 v15, v11  }
0x1ac: {  	v5 =	vmul.bf16 v8, v5;
	v10 =	vadd.bf16 v14, v10;
	v1 =	vadd.bf16 v2, v1  }
0x1ad: {  	v47 =	vunpack.i.l.bf16.f32 v25;
	v48 =	vmul.bf16 v22, v19;
	v49 =	vmul.bf16 v24, v23  }
0x1ae: {  	v12 =	vadd.bf16 v46, v12;
	v50 =	vunpack.i.u.bf16.f32 v25;
	v15 =	vunpack.i.l.bf16.f32 v11  }
0x1af: {  	v4 =	vadd.bf16 v5, v4;
	v11 =	vunpack.i.u.bf16.f32 v11;
	v6 =	vadd.bf16 v49, v48  }
0x1b0: {  	v53 =	vunpack.i.l.bf16.f32 v10;
	v7 =	vadd.f32 $0.0e+00, v47;
	v51 =	vunpack.i.l.bf16.f32 v12  }
0x1b1: {  	v3 =	vadd.bf16 v3, v13;
	v8 =	vadd.f32 $0.0e+00, v51;
	v52 =	vunpack.i.l.bf16.f32 v6  }
0x1b2: {  	v12 =	vunpack.i.u.bf16.f32 v12;
	v7 =	vadd.f32 v7, v50;
	v5 =	vadd.f32 $0.0e+00, v52  }
0x1b3: {  	v10 =	vunpack.i.u.bf16.f32 v10;
	v8 =	vadd.f32 v8, v12;
	v6 =	vunpack.i.u.bf16.f32 v6  }
0x1b4: {  	v54 =	vunpack.i.l.bf16.f32 v4;
	v7 =	vadd.f32 v15, v7;
	v5 =	vadd.f32 v5, v6  }
0x1b5: {  	v55 =	vunpack.i.l.bf16.f32 v3;
	v8 =	vadd.f32 v53, v8;
	v6 =	vadd.f32 $0.0e+00, v54  }
0x1b6: {  	v4 =	vunpack.i.u.bf16.f32 v4;
	v7 =	vadd.f32 v7, v11;
	v5 =	vadd.f32 v55, v5  }
0x1b7: {  	v3 =	vunpack.i.u.bf16.f32 v3;
	v2 =	vadd.f32 v8, v10;
	v4 =	vadd.f32 v6, v4  }
0x1b8: {  	v56 =	vunpack.i.l.bf16.f32 v1;
	(xrf2) =	vadd.scan.msk.f32 $0xffff, v7;
	v3 =	vadd.f32 v5, v3  }
0x1b9: {  	(xrf2) =	vadd.scan.msk.f32 $0xffff, v2;
	v2 =	vadd.f32 v56, v4  }
0x1ba: {  	v1 =	vunpack.i.u.bf16.f32 v1;
	(xrf2) =	vadd.scan.msk.f32 $0xffff, v3  }
0x1bb: {  	v1 =	vadd.f32 v2, v1;
	_ =	sdelay $0x1  }
0x1bc: {  	(xrf2) =	vadd.scan.msk.f32 $0xffff, v1;
	_ =	sdelay $0x4  }
0x1bd: {  	v1, _, _ =	vpop (xrf2)  }
0x1be: {  	s6 =	sadd.s32 $0x3, s7;
	v57 =	vmov s7;
	v3, _, _ =	vpop (xrf2)  }
0x1bf: {  	s8 =	sadd.s32 $0x2, s7;
	v59 =	vmov s6;
	vm12 =	veq.s32 v57, v0;
	v58, _, _ =	vpop (xrf2)  }
0x1c0: {  	s29 =	sadd.s32 $0x1, s7;
	s30 =	sshll.u32 s10, $0x4;
	s10 =	sadd.s32 $0x1, s10;
	v61 =	vmov s8;
	v2 =	vsel vm1, v9, v21;
	v60 =	vbroadcast v58, $0xF  }
0x1c1: {  	v62 =	vmov s29;
	p0 =	sne.s32 s10, $0x19;
	v2 =	vsel vm0, v18, v2;
	v3 =	vbroadcast v3, $0xF  }
.Ltmp6:
0x1c2: {  	vm13 =	veq.s32 v62, v0;
	v1 =	vbroadcast v1, $0xF;
	v63, _, _ =	vpop (xrf2);
	v2 =	vsel vm12, v60, v2;
	(pc) =	sbr.rel @p0 .LBB2_12-.Ltmp6, $4  }
0x1c3: {  	vm14 =	veq.s32 v61, v0;
	v2 =	vsel vm13, v3, v2;
	v3 =	vbroadcast v63, $0xF  }
0x1c4: {  	vm15 =	veq.s32 v59, v0;
	v1 =	vsel vm14, v1, v2  }
0x1c5: {  	s6 =	sand.u32 $0x3FFFFFF0, s30;
	v1 =	vsel vm15, v3, v1  }
0x1c6: {  	s1 =	sadd.s32 $0x400, s1;
	s0 =	sadd.s32 $0x400, s0;
	[tilespmem:s6+$0x1DE20] =	vst v1  }
0x1c7: {  	s0 =	rddreg [dreg:$0x7]  }
0x1c8: {  	[hbm4b:s0+s3] =	stream.linear.scatter [tilespmem:s20], [sflag:$0x7], $0x190, $0x38;
	[tilespmem:$0x1E140] =	vst v63  }
0x1c9: {  	_ =	swait.ge [sflag:s24], $0x190  }
0x1ca: {  	[sflag:s24] =	ssyncset.done $0x0  }
0x1cb: {  	[sflag:s24] =	ssyncadd.s32 $0xFFFFFE70  }
0x1cc: {  	_ =	swait.ge [sflag:s25], $0x190  }
0x1cd: {  	s26 =	sadd.s32 $0x1, s26;
	s30 =	rddreg [dreg:$0x8]  }
0x1ce: {  	p0 =	sne.s32 s26, s30  }
.Ltmp7:
0x1cf: {  	_ = 	snop;
	(pc) =	sbr.rel @p0 .LBB2_1-.Ltmp7, $3  }
0x1d0: {  	_ =	sdelay $0x1  }
0x1d1: {  	[sflag:s25] =	ssyncset.done $0x0  }
0x1d2: {  	[sflag:s25] =	ssyncadd.s32 $0xFFFFFE70  }
0x1d3: {  	_ =	sfence.sel $0x180000  }
0x1d4: {  	[bflag:$0x0] =	sbarrier.arrive $0xFFFF  }
0x1d5: {  	_ =	strace $0x90000047  }
0x1d6: {  	s0 =	stileid.u32;
	[bflag:$0x2] =	sbarrier.arrive $0xFFFF  }
0x1d7: {  	p0 =	sne.s32 s0, $0x0;
	s0 =	rddreg [dreg:$0x4]  }
0x1d8: {  	s0 =	sadd.s32 @!p0 $0x100000, s0  }
0x1d9: {  	[sflag:s0] =	ssyncadd.tile.s32 @!p0 $0x1;
	_ =	shalt  }
.Lfunc_end2:
_tile_overlayer_lowered:
.L_overlay_start_2:
0x1da: {  	(tag) =	ssettag $0x2  }
0x1db: {  	s0 =	rddreg [dreg:$0x0];
	s2 =	stileid.u32  }
0x1dc: {  	s1 =	rddreg [dreg:$0x1];
	p0 =	sne.s32 s2, $0x0  }
0x1dd: {  	s3 =	rddreg [dreg:$0x2];
	[bflag:$0x3] =	sbarrier.arrive $0xFFFF;
	s2 =	simm.s32 @!p0 $0x1C09  }
0x1de: {  	[timem:s3], [sflag:s2] =	dma.local @!p0 [hbm:s0], s1  }
0x1df: {  	s0 =	simm.s32 @!p0 $0x9  }
0x1e0: {  	_ =	swait.ge @!p0 [sflag:s0], s1  }
0x1e1: {  	s1 =	ssub.s32 @!p0 $0x0, s1;
	[sflag:s0] =	ssyncset.done @!p0 $0x0  }
0x1e2: {  	[sflag:s0] =	ssyncadd.s32 @!p0 s1  }
0x1e3: {  	[bflag:$0x3] =	sbarrier.arrive $0xFFFF  }
0x1e4: {  	_ =	shalt  }

</sc_bundles>
